<compile_context>
chip_gen: v7x
topology: tpu7x:2x2x1
jax: 0.10.2.dev20260603
libtpu: 0.0.44.dev20260713+nightly
codegen_flags: <defaults>
</compile_context>

<pallas_src>
import functools

import jax
import jax.numpy as jnp
from jax import lax
from jax.experimental import pallas as pl
from jax.experimental.pallas import tpu as pltpu
from jax.experimental.pallas import tpu_sc as plsc


@functools.lru_cache(maxsize=None)
def _make_gather(V, D, DP, B, C):
    info = plsc.get_sparse_core_info()
    NC, NS = info.num_cores, info.num_subcores
    NW = NC * NS
    assert B % (NW * C) == 0
    b_per_w = B // NW
    n_chunks = b_per_w // C
    assert n_chunks % 2 == 0
    mesh = plsc.VectorSubcoreMesh(core_axis_name="c", subcore_axis_name="s")

    cols = list(range(0, D - 15, 16))
    if cols[-1] + 16 < D:
        cols.append(D - 16)

    @functools.partial(
        pl.kernel,
        mesh=mesh,
        out_type=jax.ShapeDtypeStruct((B, D), jnp.float32),
        scratch_types=[
            pltpu.VMEM((b_per_w,), jnp.int32),
            pltpu.VMEM((2, C, DP), jnp.float32),
            pltpu.VMEM((2, C, D), jnp.float32),
            pltpu.SemaphoreType.DMA,
            pltpu.SemaphoreType.DMA,
            pltpu.SemaphoreType.DMA,
            pltpu.SemaphoreType.DMA,
        ],
    )
    def k(table_hbm, idx_hbm, out_hbm, idx_v, rows_v, packed_v, sg0, sg1, so0, so1):
        wid = lax.axis_index("s") * NC + lax.axis_index("c")
        base = wid * b_per_w
        sg = (sg0, sg1)
        so = (so0, so1)

        pltpu.sync_copy(idx_hbm.at[pl.ds(base, b_per_w)], idx_v)
        pltpu.async_copy(
            table_hbm.at[idx_v.at[pl.ds(0, C)]], rows_v.at[0], sg[0]
        )

        def body(g, carry):
            for b in range(2):
                i = g + b
                cur, nxt = b, 1 - b

                @pl.when(i + 1 < n_chunks)
                def _():
                    pltpu.async_copy(
                        table_hbm.at[idx_v.at[pl.ds((i + 1) * C, C)]],
                        rows_v.at[nxt],
                        sg[nxt],
                    )

                @pl.when(i >= 2)
                def _():
                    pltpu.make_async_copy(
                        packed_v.at[cur], out_hbm.at[pl.ds(base, C)], so[cur]
                    ).wait()

                pltpu.make_async_copy(
                    table_hbm.at[idx_v.at[pl.ds(0, C)]], rows_v.at[cur], sg[cur]
                ).wait()

                src = rows_v.at[cur]
                dst = packed_v.at[cur]

                def row(r, rc):
                    for c in cols:
                        dst[r, pl.ds(c, 16)] = src[r, pl.ds(c, 16)]
                    return rc

                lax.fori_loop(0, C, row, 0)

                pltpu.async_copy(
                    dst, out_hbm.at[pl.ds(base + i * C, C)], so[cur]
                )
            return carry

        lax.fori_loop(0, n_chunks // 2, lambda g, c: body(2 * g, c), 0)
        for b in range(2):
            pltpu.make_async_copy(
                packed_v.at[b], out_hbm.at[pl.ds(base, C)], so[b]
            ).wait()

    return k


def kernel(batch, weight):
    b0, b1 = batch.shape
    V, D = weight.shape
    DP = ((D + 127) // 128) * 128
    B = b0 * b1
    idx = batch.reshape(B).astype(jnp.int32)
    table = jnp.pad(weight, ((0, 0), (0, DP - D))) if DP != D else weight
    out = _make_gather(V, D, DP, B, 64)(table, idx)
    return out.reshape(b0, b1, D)

# --- scband reference (transcript-rebuilt; emitter-appended) ---
"""Pipeline reference for scband-glove-embedding-51960514347653 (READ-ONLY COPY).

The authoritative reference and input builder live on the scoring server;
editing this copy changes nothing except your own understanding.
"""

import jax, jax.numpy as jnp
import numpy as np

VOCAB_SIZE = 100000
DIM = 300
PAD_IDX = 0

def setup_inputs(seed: int = 0) -> dict:
    key = jax.random.key(seed)
    k1, k2 = jax.random.split(key)
    batch = jax.random.randint(k1, (4096, 200), 0, VOCAB_SIZE, dtype=jnp.int64) if jax.config.jax_enable_x64 else jax.random.randint(k1, (4096, 200), 0, VOCAB_SIZE, dtype=jnp.int32)
    # GloVe-initialized embedding table (here random stand-in for pretrained vectors),
    # with padding_idx row zeroed as nn.Embedding(padding_idx=PAD_IDX) does at init.
    weight = jax.random.normal(k2, (VOCAB_SIZE, DIM), dtype=jnp.float32) * 0.1
    weight = weight.at[PAD_IDX].set(0.0)
    return {"batch": batch, "weight": weight}

def reference(batch, weight):
    # GloveEmbedding.forward: embeds = self.embedding(batch)
    # nn.Embedding forward is a pure row-gather from the weight table.
    embeds = jnp.take(weight, batch, axis=0)
    return embeds

if __name__ == "__main__":
    import jax
    _d = setup_inputs()
    print(jax.jit(kernel)(*tuple(_d.values())))

</pallas_src>

<mosaic_0001>
#map = affine_map<(d0, d1) -> (0, 0)>
#map1 = affine_map<(d0, d1) -> (0)>
module attributes {stable_mosaic.version = 14 : i64} {
  func.func @k(%arg0: i32, %arg1: i32, %arg2: memref<100000x384xf32, #tpu.memory_space<hbm>>, %arg3: memref<819200xi32, #tpu.memory_space<hbm>>, %arg4: memref<819200x300xf32, #tpu.memory_space<hbm>>, %arg5: memref<25600xi32, #tpu.memory_space<vmem>>, %arg6: memref<2x64x384xf32, #tpu.memory_space<vmem>>, %arg7: memref<2x64x300xf32, #tpu.memory_space<vmem>>, %arg8: memref<!tpu.dma_semaphore, #tpu.memory_space<semaphore_mem>>, %arg9: memref<!tpu.dma_semaphore, #tpu.memory_space<semaphore_mem>>, %arg10: memref<!tpu.dma_semaphore, #tpu.memory_space<semaphore_mem>>, %arg11: memref<!tpu.dma_semaphore, #tpu.memory_space<semaphore_mem>>) attributes {dimension_semantics = [#tpu.dimension_semantics<core_parallel>, #tpu.dimension_semantics<subcore_parallel>], iteration_bounds = array<i64: 2, 16>, scalar_prefetch = 0 : i64, scratch_operands = 7 : i64, tpu.core_type = #tpu.core_type<sc_vector_subcore>, window_params = [{transform_indices = #map}, {transform_indices = #map1}, {transform_indices = #map}]} {
    %mul3A = arith.constant 2 : i32
    %mul3A_0 = arith.muli %arg1, %mul3A : i32
    %add3A = arith.addi %mul3A_0, %arg0 : i32
    %mul3A_1 = arith.constant 25600 : i32
    %mul3A_2 = arith.muli %add3A, %mul3A_1 : i32
    "tpu.region"() ({
      %run_scoped3A = tpu.sem_alloc : memref<!tpu.dma_semaphore, #tpu.memory_space<semaphore_mem>>
      %dma_start3A_42 = tpu.memref_slice %arg3[%mul3A_2] : memref<819200xi32, #tpu.memory_space<hbm>> -> memref<25600xi32, #tpu.memory_space<hbm>>
      %dma_start3A_43 = tpu.memref_slice %arg3[%mul3A_2] : memref<819200xi32, #tpu.memory_space<hbm>> -> memref<25600xi32, #tpu.memory_space<hbm>>
      tpu.enqueue_dma source(%dma_start3A_43 : memref<25600xi32, #tpu.memory_space<hbm>>) target(%arg5 : memref<25600xi32, #tpu.memory_space<vmem>>) target_semaphore(%run_scoped3A : memref<!tpu.dma_semaphore, #tpu.memory_space<semaphore_mem>>)
      %dma_wait3A_44 = tpu.memref_slice %arg3[%mul3A_2] : memref<819200xi32, #tpu.memory_space<hbm>> -> memref<25600xi32, #tpu.memory_space<hbm>>
      %dma_wait3A_45 = tpu.memref_slice %arg3[%mul3A_2] : memref<819200xi32, #tpu.memory_space<hbm>> -> memref<25600xi32, #tpu.memory_space<hbm>>
      tpu.wait_dma2 semaphore(%run_scoped3A : memref<!tpu.dma_semaphore, #tpu.memory_space<semaphore_mem>>) src(%dma_wait3A_45 : memref<25600xi32, #tpu.memory_space<hbm>>) dst(%arg5 : memref<25600xi32, #tpu.memory_space<vmem>>)
      tpu.yield
    }) : () -> ()
    %dma_start3A = arith.constant 0 : i32
    %dma_start3A_3 = arith.constant 0 : i32
    %dma_start3A_4 = arith.constant 0 : i32
    %dma_start3A_5 = tpu.memref_slice %arg6[%dma_start3A, %dma_start3A_3, %dma_start3A_4] : memref<2x64x384xf32, #tpu.memory_space<vmem>> -> memref<1x64x384xf32, #tpu.memory_space<vmem>>
    %dma_start3A_6 = tpu.memref_squeeze %dma_start3A_5 : memref<1x64x384xf32, #tpu.memory_space<vmem>> -> memref<64x384xf32, #tpu.memory_space<vmem>>
    %dma_start3A_7 = arith.constant 0 : i32
    %dma_start3A_8 = tpu.memref_slice %arg5[%dma_start3A_7] : memref<25600xi32, #tpu.memory_space<vmem>> -> memref<64xi32, #tpu.memory_space<vmem>>
    %dma_start3A_9 = arith.constant 0 : i32
    %dma_start3A_10 = arith.constant 0 : i32
    %dma_start3A_11 = tpu.memref_slice %arg2[%dma_start3A_9, %dma_start3A_10] : memref<100000x384xf32, #tpu.memory_space<hbm>> -> memref<100000x384xf32, #tpu.memory_space<hbm>>
    tpu.enqueue_indirect_dma source(%dma_start3A_11 : memref<100000x384xf32, #tpu.memory_space<hbm>>) target(%dma_start3A_6 : memref<64x384xf32, #tpu.memory_space<vmem>>) offsets(%dma_start3A_8 : memref<64xi32, #tpu.memory_space<vmem>>) semaphore(%arg8 : memref<!tpu.dma_semaphore, #tpu.memory_space<semaphore_mem>>)
    %scan3A = arith.constant 0 : i32
    %scan3A_12 = arith.constant 0 : i32
    %scan3A_13 = arith.constant 200 : i32
    %scan3A_14 = arith.addi %scan3A_12, %scan3A_13 : i32
    %scan3A_15 = arith.constant 1 : i32
    scf.for %scan3A_42 = %scan3A_12 to %scan3A_14 step %scan3A_15  : i32 {
      %mul3A_43 = arith.constant 2 : i32
      %mul3A_44 = arith.muli %mul3A_43, %scan3A_42 : i32
      %add3A_45 = arith.constant 0 : i32
      %add3A_46 = arith.addi %mul3A_44, %add3A_45 : i32
      %add3A_47 = arith.constant 1 : i32
      %add3A_48 = arith.addi %add3A_46, %add3A_47 : i32
      %lt3A = arith.constant 400 : i32
      %lt3A_49 = arith.cmpi slt, %add3A_48, %lt3A : i32
      %convert_element_type3A = arith.extui %lt3A_49 : i1 to i32
      %cond3A = arith.constant 0 : i32
      %cond3A_50 = arith.cmpi ne, %convert_element_type3A, %cond3A : i32
      scf.if %cond3A_50 {
        %add3A_137 = arith.constant 1 : i32
        %add3A_138 = arith.addi %add3A_46, %add3A_137 : i32
        %mul3A_139 = arith.constant 64 : i32
        %mul3A_140 = arith.muli %add3A_138, %mul3A_139 : i32
        %dma_start3A_141 = arith.constant 1 : i32
        %dma_start3A_142 = arith.constant 0 : i32
        %dma_start3A_143 = arith.constant 0 : i32
        %dma_start3A_144 = tpu.memref_slice %arg6[%dma_start3A_141, %dma_start3A_142, %dma_start3A_143] : memref<2x64x384xf32, #tpu.memory_space<vmem>> -> memref<1x64x384xf32, #tpu.memory_space<vmem>>
        %dma_start3A_145 = tpu.memref_squeeze %dma_start3A_144 : memref<1x64x384xf32, #tpu.memory_space<vmem>> -> memref<64x384xf32, #tpu.memory_space<vmem>>
        %dma_start3A_146 = tpu.memref_slice %arg5[%mul3A_140] : memref<25600xi32, #tpu.memory_space<vmem>> -> memref<64xi32, #tpu.memory_space<vmem>>
        %dma_start3A_147 = arith.constant 0 : i32
        %dma_start3A_148 = arith.constant 0 : i32
        %dma_start3A_149 = tpu.memref_slice %arg2[%dma_start3A_147, %dma_start3A_148] : memref<100000x384xf32, #tpu.memory_space<hbm>> -> memref<100000x384xf32, #tpu.memory_space<hbm>>
        tpu.enqueue_indirect_dma source(%dma_start3A_149 : memref<100000x384xf32, #tpu.memory_space<hbm>>) target(%dma_start3A_145 : memref<64x384xf32, #tpu.memory_space<vmem>>) offsets(%dma_start3A_146 : memref<64xi32, #tpu.memory_space<vmem>>) semaphore(%arg9 : memref<!tpu.dma_semaphore, #tpu.memory_space<semaphore_mem>>)
      } else {
      }
      %ge3A = arith.constant 2 : i32
      %ge3A_51 = arith.cmpi sge, %add3A_46, %ge3A : i32
      %convert_element_type3A_52 = arith.extui %ge3A_51 : i1 to i32
      %cond3A_53 = arith.constant 0 : i32
      %cond3A_54 = arith.cmpi ne, %convert_element_type3A_52, %cond3A_53 : i32
      scf.if %cond3A_54 {
        %dma_wait3A_137 = arith.constant 0 : i32
        %dma_wait3A_138 = arith.constant 0 : i32
        %dma_wait3A_139 = arith.constant 0 : i32
        %dma_wait3A_140 = tpu.memref_slice %arg7[%dma_wait3A_137, %dma_wait3A_138, %dma_wait3A_139] : memref<2x64x300xf32, #tpu.memory_space<vmem>> -> memref<1x64x300xf32, #tpu.memory_space<vmem>>
        %dma_wait3A_141 = tpu.memref_squeeze %dma_wait3A_140 : memref<1x64x300xf32, #tpu.memory_space<vmem>> -> memref<64x300xf32, #tpu.memory_space<vmem>>
        %dma_wait3A_142 = arith.constant 0 : i32
        %dma_wait3A_143 = tpu.memref_slice %arg4[%mul3A_2, %dma_wait3A_142] : memref<819200x300xf32, #tpu.memory_space<hbm>> -> memref<64x300xf32, #tpu.memory_space<hbm>>
        %dma_wait3A_144 = arith.constant 0 : i32
        %dma_wait3A_145 = tpu.memref_slice %arg4[%mul3A_2, %dma_wait3A_144] : memref<819200x300xf32, #tpu.memory_space<hbm>> -> memref<64x300xf32, #tpu.memory_space<hbm>>
        %dma_wait3A_146 = arith.constant 0 : i32
        %dma_wait3A_147 = arith.constant 0 : i32
        %dma_wait3A_148 = tpu.memref_slice %arg7[%dma_wait3A_137, %dma_wait3A_146, %dma_wait3A_147] : memref<2x64x300xf32, #tpu.memory_space<vmem>> -> memref<1x64x300xf32, #tpu.memory_space<vmem>>
        %dma_wait3A_149 = tpu.memref_squeeze %dma_wait3A_148 : memref<1x64x300xf32, #tpu.memory_space<vmem>> -> memref<64x300xf32, #tpu.memory_space<vmem>>
        tpu.wait_dma2 semaphore(%arg10 : memref<!tpu.dma_semaphore, #tpu.memory_space<semaphore_mem>>) src(%dma_wait3A_149 : memref<64x300xf32, #tpu.memory_space<vmem>>) dst(%dma_wait3A_145 : memref<64x300xf32, #tpu.memory_space<hbm>>)
      } else {
      }
      %dma_wait3A_55 = arith.constant 0 : i32
      %dma_wait3A_56 = arith.constant 0 : i32
      %dma_wait3A_57 = arith.constant 0 : i32
      %dma_wait3A_58 = tpu.memref_slice %arg6[%dma_wait3A_55, %dma_wait3A_56, %dma_wait3A_57] : memref<2x64x384xf32, #tpu.memory_space<vmem>> -> memref<1x64x384xf32, #tpu.memory_space<vmem>>
      %dma_wait3A_59 = tpu.memref_squeeze %dma_wait3A_58 : memref<1x64x384xf32, #tpu.memory_space<vmem>> -> memref<64x384xf32, #tpu.memory_space<vmem>>
      %dma_wait3A_60 = arith.constant 0 : i32
      %dma_wait3A_61 = tpu.memref_slice %arg5[%dma_wait3A_60] : memref<25600xi32, #tpu.memory_space<vmem>> -> memref<64xi32, #tpu.memory_space<vmem>>
      %dma_wait3A_62 = arith.constant 0 : i32
      %dma_wait3A_63 = arith.constant 0 : i32
      %dma_wait3A_64 = tpu.memref_slice %arg2[%dma_wait3A_62, %dma_wait3A_63] : memref<100000x384xf32, #tpu.memory_space<hbm>> -> memref<100000x384xf32, #tpu.memory_space<hbm>>
      tpu.wait_indirect_dma semaphore(%arg8 : memref<!tpu.dma_semaphore, #tpu.memory_space<semaphore_mem>>) src(%dma_wait3A_64 : memref<100000x384xf32, #tpu.memory_space<hbm>>) dst(%dma_wait3A_59 : memref<64x384xf32, #tpu.memory_space<vmem>>)
      %scan3A_65 = arith.constant 0 : i32
      %scan3A_66 = arith.constant 0 : i32
      %scan3A_67 = arith.constant 0 : i32
      %scan3A_68 = arith.constant 0 : i32
      %scan3A_69 = arith.constant 64 : i32
      %scan3A_70 = arith.addi %scan3A_68, %scan3A_69 : i32
      %scan3A_71 = arith.constant 1 : i32
      scf.for %scan3A_137 = %scan3A_68 to %scan3A_70 step %scan3A_71  : i32 {
        %get3A = arith.constant 0 : i32
        %get3A_138 = arith.constant 0 : i32
        %get3A_139 = tpu.memref_slice %arg6[%scan3A_66, %get3A, %get3A_138] : memref<2x64x384xf32, #tpu.memory_space<vmem>> -> memref<1x64x384xf32, #tpu.memory_space<vmem>>
        %get3A_140 = tpu.memref_squeeze %get3A_139 : memref<1x64x384xf32, #tpu.memory_space<vmem>> -> memref<64x384xf32, #tpu.memory_space<vmem>>
        %get3A_141 = arith.index_cast %scan3A_137 : i32 to index
        %get3A_142 = arith.constant 0 : index
        %get3A_143 = tpu.vector_load %get3A_140[%get3A_141, %get3A_142] {strides = array<i32>} : memref<64x384xf32, #tpu.memory_space<vmem>>, vector<1x16xf32>,
        %get3A_144 = vector.shape_cast %get3A_143 : vector<1x16xf32> to vector<16xf32>
        %swap3A = arith.constant 0 : i32
        %swap3A_145 = arith.constant 0 : i32
        %swap3A_146 = tpu.memref_slice %arg7[%scan3A_67, %swap3A, %swap3A_145] : memref<2x64x300xf32, #tpu.memory_space<vmem>> -> memref<1x64x300xf32, #tpu.memory_space<vmem>>
        %swap3A_147 = tpu.memref_squeeze %swap3A_146 : memref<1x64x300xf32, #tpu.memory_space<vmem>> -> memref<64x300xf32, #tpu.memory_space<vmem>>
        %swap3A_148 = arith.index_cast %scan3A_137 : i32 to index
        %swap3A_149 = arith.constant 0 : index
        %swap3A_150 = tpu.vector_load %swap3A_147[%swap3A_148, %swap3A_149] {strides = array<i32>} : memref<64x300xf32, #tpu.memory_space<vmem>>, vector<1x16xf32>,
        %swap3A_151 = vector.shape_cast %swap3A_150 : vector<1x16xf32> to vector<16xf32>
        %swap3A_152 = vector.shape_cast %get3A_144 : vector<16xf32> to vector<1x16xf32>
        tpu.vector_store %swap3A_147[%swap3A_148, %swap3A_149], %swap3A_152 {strides = array<i32>} : memref<64x300xf32, #tpu.memory_space<vmem>>, vector<1x16xf32>,
        %get3A_153 = arith.constant 0 : i32
        %get3A_154 = arith.constant 0 : i32
        %get3A_155 = tpu.memref_slice %arg6[%scan3A_66, %get3A_153, %get3A_154] : memref<2x64x384xf32, #tpu.memory_space<vmem>> -> memref<1x64x384xf32, #tpu.memory_space<vmem>>
        %get3A_156 = tpu.memref_squeeze %get3A_155 : memref<1x64x384xf32, #tpu.memory_space<vmem>> -> memref<64x384xf32, #tpu.memory_space<vmem>>
        %get3A_157 = arith.index_cast %scan3A_137 : i32 to index
        %get3A_158 = arith.constant 16 : index
        %get3A_159 = tpu.vector_load %get3A_156[%get3A_157, %get3A_158] {strides = array<i32>} : memref<64x384xf32, #tpu.memory_space<vmem>>, vector<1x16xf32>,
        %get3A_160 = vector.shape_cast %get3A_159 : vector<1x16xf32> to vector<16xf32>
        %swap3A_161 = arith.constant 0 : i32
        %swap3A_162 = arith.constant 0 : i32
        %swap3A_163 = tpu.memref_slice %arg7[%scan3A_67, %swap3A_161, %swap3A_162] : memref<2x64x300xf32, #tpu.memory_space<vmem>> -> memref<1x64x300xf32, #tpu.memory_space<vmem>>
        %swap3A_164 = tpu.memref_squeeze %swap3A_163 : memref<1x64x300xf32, #tpu.memory_space<vmem>> -> memref<64x300xf32, #tpu.memory_space<vmem>>
        %swap3A_165 = arith.index_cast %scan3A_137 : i32 to index
        %swap3A_166 = arith.constant 16 : index
        %swap3A_167 = tpu.vector_load %swap3A_164[%swap3A_165, %swap3A_166] {strides = array<i32>} : memref<64x300xf32, #tpu.memory_space<vmem>>, vector<1x16xf32>,
        %swap3A_168 = vector.shape_cast %swap3A_167 : vector<1x16xf32> to vector<16xf32>
        %swap3A_169 = vector.shape_cast %get3A_160 : vector<16xf32> to vector<1x16xf32>
        tpu.vector_store %swap3A_164[%swap3A_165, %swap3A_166], %swap3A_169 {strides = array<i32>} : memref<64x300xf32, #tpu.memory_space<vmem>>, vector<1x16xf32>,
        %get3A_170 = arith.constant 0 : i32
        %get3A_171 = arith.constant 0 : i32
        %get3A_172 = tpu.memref_slice %arg6[%scan3A_66, %get3A_170, %get3A_171] : memref<2x64x384xf32, #tpu.memory_space<vmem>> -> memref<1x64x384xf32, #tpu.memory_space<vmem>>
        %get3A_173 = tpu.memref_squeeze %get3A_172 : memref<1x64x384xf32, #tpu.memory_space<vmem>> -> memref<64x384xf32, #tpu.memory_space<vmem>>
        %get3A_174 = arith.index_cast %scan3A_137 : i32 to index
        %get3A_175 = arith.constant 32 : index
        %get3A_176 = tpu.vector_load %get3A_173[%get3A_174, %get3A_175] {strides = array<i32>} : memref<64x384xf32, #tpu.memory_space<vmem>>, vector<1x16xf32>,
        %get3A_177 = vector.shape_cast %get3A_176 : vector<1x16xf32> to vector<16xf32>
        %swap3A_178 = arith.constant 0 : i32
        %swap3A_179 = arith.constant 0 : i32
        %swap3A_180 = tpu.memref_slice %arg7[%scan3A_67, %swap3A_178, %swap3A_179] : memref<2x64x300xf32, #tpu.memory_space<vmem>> -> memref<1x64x300xf32, #tpu.memory_space<vmem>>
        %swap3A_181 = tpu.memref_squeeze %swap3A_180 : memref<1x64x300xf32, #tpu.memory_space<vmem>> -> memref<64x300xf32, #tpu.memory_space<vmem>>
        %swap3A_182 = arith.index_cast %scan3A_137 : i32 to index
        %swap3A_183 = arith.constant 32 : index
        %swap3A_184 = tpu.vector_load %swap3A_181[%swap3A_182, %swap3A_183] {strides = array<i32>} : memref<64x300xf32, #tpu.memory_space<vmem>>, vector<1x16xf32>,
        %swap3A_185 = vector.shape_cast %swap3A_184 : vector<1x16xf32> to vector<16xf32>
        %swap3A_186 = vector.shape_cast %get3A_177 : vector<16xf32> to vector<1x16xf32>
        tpu.vector_store %swap3A_181[%swap3A_182, %swap3A_183], %swap3A_186 {strides = array<i32>} : memref<64x300xf32, #tpu.memory_space<vmem>>, vector<1x16xf32>,
        %get3A_187 = arith.constant 0 : i32
        %get3A_188 = arith.constant 0 : i32
        %get3A_189 = tpu.memref_slice %arg6[%scan3A_66, %get3A_187, %get3A_188] : memref<2x64x384xf32, #tpu.memory_space<vmem>> -> memref<1x64x384xf32, #tpu.memory_space<vmem>>
        %get3A_190 = tpu.memref_squeeze %get3A_189 : memref<1x64x384xf32, #tpu.memory_space<vmem>> -> memref<64x384xf32, #tpu.memory_space<vmem>>
        %get3A_191 = arith.index_cast %scan3A_137 : i32 to index
        %get3A_192 = arith.constant 48 : index
        %get3A_193 = tpu.vector_load %get3A_190[%get3A_191, %get3A_192] {strides = array<i32>} : memref<64x384xf32, #tpu.memory_space<vmem>>, vector<1x16xf32>,
        %get3A_194 = vector.shape_cast %get3A_193 : vector<1x16xf32> to vector<16xf32>
        %swap3A_195 = arith.constant 0 : i32
        %swap3A_196 = arith.constant 0 : i32
        %swap3A_197 = tpu.memref_slice %arg7[%scan3A_67, %swap3A_195, %swap3A_196] : memref<2x64x300xf32, #tpu.memory_space<vmem>> -> memref<1x64x300xf32, #tpu.memory_space<vmem>>
        %swap3A_198 = tpu.memref_squeeze %swap3A_197 : memref<1x64x300xf32, #tpu.memory_space<vmem>> -> memref<64x300xf32, #tpu.memory_space<vmem>>
        %swap3A_199 = arith.index_cast %scan3A_137 : i32 to index
        %swap3A_200 = arith.constant 48 : index
        %swap3A_201 = tpu.vector_load %swap3A_198[%swap3A_199, %swap3A_200] {strides = array<i32>} : memref<64x300xf32, #tpu.memory_space<vmem>>, vector<1x16xf32>,
        %swap3A_202 = vector.shape_cast %swap3A_201 : vector<1x16xf32> to vector<16xf32>
        %swap3A_203 = vector.shape_cast %get3A_194 : vector<16xf32> to vector<1x16xf32>
        tpu.vector_store %swap3A_198[%swap3A_199, %swap3A_200], %swap3A_203 {strides = array<i32>} : memref<64x300xf32, #tpu.memory_space<vmem>>, vector<1x16xf32>,
        %get3A_204 = arith.constant 0 : i32
        %get3A_205 = arith.constant 0 : i32
        %get3A_206 = tpu.memref_slice %arg6[%scan3A_66, %get3A_204, %get3A_205] : memref<2x64x384xf32, #tpu.memory_space<vmem>> -> memref<1x64x384xf32, #tpu.memory_space<vmem>>
        %get3A_207 = tpu.memref_squeeze %get3A_206 : memref<1x64x384xf32, #tpu.memory_space<vmem>> -> memref<64x384xf32, #tpu.memory_space<vmem>>
        %get3A_208 = arith.index_cast %scan3A_137 : i32 to index
        %get3A_209 = arith.constant 64 : index
        %get3A_210 = tpu.vector_load %get3A_207[%get3A_208, %get3A_209] {strides = array<i32>} : memref<64x384xf32, #tpu.memory_space<vmem>>, vector<1x16xf32>,
        %get3A_211 = vector.shape_cast %get3A_210 : vector<1x16xf32> to vector<16xf32>
        %swap3A_212 = arith.constant 0 : i32
        %swap3A_213 = arith.constant 0 : i32
        %swap3A_214 = tpu.memref_slice %arg7[%scan3A_67, %swap3A_212, %swap3A_213] : memref<2x64x300xf32, #tpu.memory_space<vmem>> -> memref<1x64x300xf32, #tpu.memory_space<vmem>>
        %swap3A_215 = tpu.memref_squeeze %swap3A_214 : memref<1x64x300xf32, #tpu.memory_space<vmem>> -> memref<64x300xf32, #tpu.memory_space<vmem>>
        %swap3A_216 = arith.index_cast %scan3A_137 : i32 to index
        %swap3A_217 = arith.constant 64 : index
        %swap3A_218 = tpu.vector_load %swap3A_215[%swap3A_216, %swap3A_217] {strides = array<i32>} : memref<64x300xf32, #tpu.memory_space<vmem>>, vector<1x16xf32>,
        %swap3A_219 = vector.shape_cast %swap3A_218 : vector<1x16xf32> to vector<16xf32>
        %swap3A_220 = vector.shape_cast %get3A_211 : vector<16xf32> to vector<1x16xf32>
        tpu.vector_store %swap3A_215[%swap3A_216, %swap3A_217], %swap3A_220 {strides = array<i32>} : memref<64x300xf32, #tpu.memory_space<vmem>>, vector<1x16xf32>,
        %get3A_221 = arith.constant 0 : i32
        %get3A_222 = arith.constant 0 : i32
        %get3A_223 = tpu.memref_slice %arg6[%scan3A_66, %get3A_221, %get3A_222] : memref<2x64x384xf32, #tpu.memory_space<vmem>> -> memref<1x64x384xf32, #tpu.memory_space<vmem>>
        %get3A_224 = tpu.memref_squeeze %get3A_223 : memref<1x64x384xf32, #tpu.memory_space<vmem>> -> memref<64x384xf32, #tpu.memory_space<vmem>>
        %get3A_225 = arith.index_cast %scan3A_137 : i32 to index
        %get3A_226 = arith.constant 80 : index
        %get3A_227 = tpu.vector_load %get3A_224[%get3A_225, %get3A_226] {strides = array<i32>} : memref<64x384xf32, #tpu.memory_space<vmem>>, vector<1x16xf32>,
        %get3A_228 = vector.shape_cast %get3A_227 : vector<1x16xf32> to vector<16xf32>
        %swap3A_229 = arith.constant 0 : i32
        %swap3A_230 = arith.constant 0 : i32
        %swap3A_231 = tpu.memref_slice %arg7[%scan3A_67, %swap3A_229, %swap3A_230] : memref<2x64x300xf32, #tpu.memory_space<vmem>> -> memref<1x64x300xf32, #tpu.memory_space<vmem>>
        %swap3A_232 = tpu.memref_squeeze %swap3A_231 : memref<1x64x300xf32, #tpu.memory_space<vmem>> -> memref<64x300xf32, #tpu.memory_space<vmem>>
        %swap3A_233 = arith.index_cast %scan3A_137 : i32 to index
        %swap3A_234 = arith.constant 80 : index
        %swap3A_235 = tpu.vector_load %swap3A_232[%swap3A_233, %swap3A_234] {strides = array<i32>} : memref<64x300xf32, #tpu.memory_space<vmem>>, vector<1x16xf32>,
        %swap3A_236 = vector.shape_cast %swap3A_235 : vector<1x16xf32> to vector<16xf32>
        %swap3A_237 = vector.shape_cast %get3A_228 : vector<16xf32> to vector<1x16xf32>
        tpu.vector_store %swap3A_232[%swap3A_233, %swap3A_234], %swap3A_237 {strides = array<i32>} : memref<64x300xf32, #tpu.memory_space<vmem>>, vector<1x16xf32>,
        %get3A_238 = arith.constant 0 : i32
        %get3A_239 = arith.constant 0 : i32
        %get3A_240 = tpu.memref_slice %arg6[%scan3A_66, %get3A_238, %get3A_239] : memref<2x64x384xf32, #tpu.memory_space<vmem>> -> memref<1x64x384xf32, #tpu.memory_space<vmem>>
        %get3A_241 = tpu.memref_squeeze %get3A_240 : memref<1x64x384xf32, #tpu.memory_space<vmem>> -> memref<64x384xf32, #tpu.memory_space<vmem>>
        %get3A_242 = arith.index_cast %scan3A_137 : i32 to index
        %get3A_243 = arith.constant 96 : index
        %get3A_244 = tpu.vector_load %get3A_241[%get3A_242, %get3A_243] {strides = array<i32>} : memref<64x384xf32, #tpu.memory_space<vmem>>, vector<1x16xf32>,
        %get3A_245 = vector.shape_cast %get3A_244 : vector<1x16xf32> to vector<16xf32>
        %swap3A_246 = arith.constant 0 : i32
        %swap3A_247 = arith.constant 0 : i32
        %swap3A_248 = tpu.memref_slice %arg7[%scan3A_67, %swap3A_246, %swap3A_247] : memref<2x64x300xf32, #tpu.memory_space<vmem>> -> memref<1x64x300xf32, #tpu.memory_space<vmem>>
        %swap3A_249 = tpu.memref_squeeze %swap3A_248 : memref<1x64x300xf32, #tpu.memory_space<vmem>> -> memref<64x300xf32, #tpu.memory_space<vmem>>
        %swap3A_250 = arith.index_cast %scan3A_137 : i32 to index
        %swap3A_251 = arith.constant 96 : index
        %swap3A_252 = tpu.vector_load %swap3A_249[%swap3A_250, %swap3A_251] {strides = array<i32>} : memref<64x300xf32, #tpu.memory_space<vmem>>, vector<1x16xf32>,
        %swap3A_253 = vector.shape_cast %swap3A_252 : vector<1x16xf32> to vector<16xf32>
        %swap3A_254 = vector.shape_cast %get3A_245 : vector<16xf32> to vector<1x16xf32>
        tpu.vector_store %swap3A_249[%swap3A_250, %swap3A_251], %swap3A_254 {strides = array<i32>} : memref<64x300xf32, #tpu.memory_space<vmem>>, vector<1x16xf32>,
        %get3A_255 = arith.constant 0 : i32
        %get3A_256 = arith.constant 0 : i32
        %get3A_257 = tpu.memref_slice %arg6[%scan3A_66, %get3A_255, %get3A_256] : memref<2x64x384xf32, #tpu.memory_space<vmem>> -> memref<1x64x384xf32, #tpu.memory_space<vmem>>
        %get3A_258 = tpu.memref_squeeze %get3A_257 : memref<1x64x384xf32, #tpu.memory_space<vmem>> -> memref<64x384xf32, #tpu.memory_space<vmem>>
        %get3A_259 = arith.index_cast %scan3A_137 : i32 to index
        %get3A_260 = arith.constant 112 : index
        %get3A_261 = tpu.vector_load %get3A_258[%get3A_259, %get3A_260] {strides = array<i32>} : memref<64x384xf32, #tpu.memory_space<vmem>>, vector<1x16xf32>,
        %get3A_262 = vector.shape_cast %get3A_261 : vector<1x16xf32> to vector<16xf32>
        %swap3A_263 = arith.constant 0 : i32
        %swap3A_264 = arith.constant 0 : i32
        %swap3A_265 = tpu.memref_slice %arg7[%scan3A_67, %swap3A_263, %swap3A_264] : memref<2x64x300xf32, #tpu.memory_space<vmem>> -> memref<1x64x300xf32, #tpu.memory_space<vmem>>
        %swap3A_266 = tpu.memref_squeeze %swap3A_265 : memref<1x64x300xf32, #tpu.memory_space<vmem>> -> memref<64x300xf32, #tpu.memory_space<vmem>>
        %swap3A_267 = arith.index_cast %scan3A_137 : i32 to index
        %swap3A_268 = arith.constant 112 : index
        %swap3A_269 = tpu.vector_load %swap3A_266[%swap3A_267, %swap3A_268] {strides = array<i32>} : memref<64x300xf32, #tpu.memory_space<vmem>>, vector<1x16xf32>,
        %swap3A_270 = vector.shape_cast %swap3A_269 : vector<1x16xf32> to vector<16xf32>
        %swap3A_271 = vector.shape_cast %get3A_262 : vector<16xf32> to vector<1x16xf32>
        tpu.vector_store %swap3A_266[%swap3A_267, %swap3A_268], %swap3A_271 {strides = array<i32>} : memref<64x300xf32, #tpu.memory_space<vmem>>, vector<1x16xf32>,
        %get3A_272 = arith.constant 0 : i32
        %get3A_273 = arith.constant 0 : i32
        %get3A_274 = tpu.memref_slice %arg6[%scan3A_66, %get3A_272, %get3A_273] : memref<2x64x384xf32, #tpu.memory_space<vmem>> -> memref<1x64x384xf32, #tpu.memory_space<vmem>>
        %get3A_275 = tpu.memref_squeeze %get3A_274 : memref<1x64x384xf32, #tpu.memory_space<vmem>> -> memref<64x384xf32, #tpu.memory_space<vmem>>
        %get3A_276 = arith.index_cast %scan3A_137 : i32 to index
        %get3A_277 = arith.constant 128 : index
        %get3A_278 = tpu.vector_load %get3A_275[%get3A_276, %get3A_277] {strides = array<i32>} : memref<64x384xf32, #tpu.memory_space<vmem>>, vector<1x16xf32>,
        %get3A_279 = vector.shape_cast %get3A_278 : vector<1x16xf32> to vector<16xf32>
        %swap3A_280 = arith.constant 0 : i32
        %swap3A_281 = arith.constant 0 : i32
        %swap3A_282 = tpu.memref_slice %arg7[%scan3A_67, %swap3A_280, %swap3A_281] : memref<2x64x300xf32, #tpu.memory_space<vmem>> -> memref<1x64x300xf32, #tpu.memory_space<vmem>>
        %swap3A_283 = tpu.memref_squeeze %swap3A_282 : memref<1x64x300xf32, #tpu.memory_space<vmem>> -> memref<64x300xf32, #tpu.memory_space<vmem>>
        %swap3A_284 = arith.index_cast %scan3A_137 : i32 to index
        %swap3A_285 = arith.constant 128 : index
        %swap3A_286 = tpu.vector_load %swap3A_283[%swap3A_284, %swap3A_285] {strides = array<i32>} : memref<64x300xf32, #tpu.memory_space<vmem>>, vector<1x16xf32>,
        %swap3A_287 = vector.shape_cast %swap3A_286 : vector<1x16xf32> to vector<16xf32>
        %swap3A_288 = vector.shape_cast %get3A_279 : vector<16xf32> to vector<1x16xf32>
        tpu.vector_store %swap3A_283[%swap3A_284, %swap3A_285], %swap3A_288 {strides = array<i32>} : memref<64x300xf32, #tpu.memory_space<vmem>>, vector<1x16xf32>,
        %get3A_289 = arith.constant 0 : i32
        %get3A_290 = arith.constant 0 : i32
        %get3A_291 = tpu.memref_slice %arg6[%scan3A_66, %get3A_289, %get3A_290] : memref<2x64x384xf32, #tpu.memory_space<vmem>> -> memref<1x64x384xf32, #tpu.memory_space<vmem>>
        %get3A_292 = tpu.memref_squeeze %get3A_291 : memref<1x64x384xf32, #tpu.memory_space<vmem>> -> memref<64x384xf32, #tpu.memory_space<vmem>>
        %get3A_293 = arith.index_cast %scan3A_137 : i32 to index
        %get3A_294 = arith.constant 144 : index
        %get3A_295 = tpu.vector_load %get3A_292[%get3A_293, %get3A_294] {strides = array<i32>} : memref<64x384xf32, #tpu.memory_space<vmem>>, vector<1x16xf32>,
        %get3A_296 = vector.shape_cast %get3A_295 : vector<1x16xf32> to vector<16xf32>
        %swap3A_297 = arith.constant 0 : i32
        %swap3A_298 = arith.constant 0 : i32
        %swap3A_299 = tpu.memref_slice %arg7[%scan3A_67, %swap3A_297, %swap3A_298] : memref<2x64x300xf32, #tpu.memory_space<vmem>> -> memref<1x64x300xf32, #tpu.memory_space<vmem>>
        %swap3A_300 = tpu.memref_squeeze %swap3A_299 : memref<1x64x300xf32, #tpu.memory_space<vmem>> -> memref<64x300xf32, #tpu.memory_space<vmem>>
        %swap3A_301 = arith.index_cast %scan3A_137 : i32 to index
        %swap3A_302 = arith.constant 144 : index
        %swap3A_303 = tpu.vector_load %swap3A_300[%swap3A_301, %swap3A_302] {strides = array<i32>} : memref<64x300xf32, #tpu.memory_space<vmem>>, vector<1x16xf32>,
        %swap3A_304 = vector.shape_cast %swap3A_303 : vector<1x16xf32> to vector<16xf32>
        %swap3A_305 = vector.shape_cast %get3A_296 : vector<16xf32> to vector<1x16xf32>
        tpu.vector_store %swap3A_300[%swap3A_301, %swap3A_302], %swap3A_305 {strides = array<i32>} : memref<64x300xf32, #tpu.memory_space<vmem>>, vector<1x16xf32>,
        %get3A_306 = arith.constant 0 : i32
        %get3A_307 = arith.constant 0 : i32
        %get3A_308 = tpu.memref_slice %arg6[%scan3A_66, %get3A_306, %get3A_307] : memref<2x64x384xf32, #tpu.memory_space<vmem>> -> memref<1x64x384xf32, #tpu.memory_space<vmem>>
        %get3A_309 = tpu.memref_squeeze %get3A_308 : memref<1x64x384xf32, #tpu.memory_space<vmem>> -> memref<64x384xf32, #tpu.memory_space<vmem>>
        %get3A_310 = arith.index_cast %scan3A_137 : i32 to index
        %get3A_311 = arith.constant 160 : index
        %get3A_312 = tpu.vector_load %get3A_309[%get3A_310, %get3A_311] {strides = array<i32>} : memref<64x384xf32, #tpu.memory_space<vmem>>, vector<1x16xf32>,
        %get3A_313 = vector.shape_cast %get3A_312 : vector<1x16xf32> to vector<16xf32>
        %swap3A_314 = arith.constant 0 : i32
        %swap3A_315 = arith.constant 0 : i32
        %swap3A_316 = tpu.memref_slice %arg7[%scan3A_67, %swap3A_314, %swap3A_315] : memref<2x64x300xf32, #tpu.memory_space<vmem>> -> memref<1x64x300xf32, #tpu.memory_space<vmem>>
        %swap3A_317 = tpu.memref_squeeze %swap3A_316 : memref<1x64x300xf32, #tpu.memory_space<vmem>> -> memref<64x300xf32, #tpu.memory_space<vmem>>
        %swap3A_318 = arith.index_cast %scan3A_137 : i32 to index
        %swap3A_319 = arith.constant 160 : index
        %swap3A_320 = tpu.vector_load %swap3A_317[%swap3A_318, %swap3A_319] {strides = array<i32>} : memref<64x300xf32, #tpu.memory_space<vmem>>, vector<1x16xf32>,
        %swap3A_321 = vector.shape_cast %swap3A_320 : vector<1x16xf32> to vector<16xf32>
        %swap3A_322 = vector.shape_cast %get3A_313 : vector<16xf32> to vector<1x16xf32>
        tpu.vector_store %swap3A_317[%swap3A_318, %swap3A_319], %swap3A_322 {strides = array<i32>} : memref<64x300xf32, #tpu.memory_space<vmem>>, vector<1x16xf32>,
        %get3A_323 = arith.constant 0 : i32
        %get3A_324 = arith.constant 0 : i32
        %get3A_325 = tpu.memref_slice %arg6[%scan3A_66, %get3A_323, %get3A_324] : memref<2x64x384xf32, #tpu.memory_space<vmem>> -> memref<1x64x384xf32, #tpu.memory_space<vmem>>
        %get3A_326 = tpu.memref_squeeze %get3A_325 : memref<1x64x384xf32, #tpu.memory_space<vmem>> -> memref<64x384xf32, #tpu.memory_space<vmem>>
        %get3A_327 = arith.index_cast %scan3A_137 : i32 to index
        %get3A_328 = arith.constant 176 : index
        %get3A_329 = tpu.vector_load %get3A_326[%get3A_327, %get3A_328] {strides = array<i32>} : memref<64x384xf32, #tpu.memory_space<vmem>>, vector<1x16xf32>,
        %get3A_330 = vector.shape_cast %get3A_329 : vector<1x16xf32> to vector<16xf32>
        %swap3A_331 = arith.constant 0 : i32
        %swap3A_332 = arith.constant 0 : i32
        %swap3A_333 = tpu.memref_slice %arg7[%scan3A_67, %swap3A_331, %swap3A_332] : memref<2x64x300xf32, #tpu.memory_space<vmem>> -> memref<1x64x300xf32, #tpu.memory_space<vmem>>
        %swap3A_334 = tpu.memref_squeeze %swap3A_333 : memref<1x64x300xf32, #tpu.memory_space<vmem>> -> memref<64x300xf32, #tpu.memory_space<vmem>>
        %swap3A_335 = arith.index_cast %scan3A_137 : i32 to index
        %swap3A_336 = arith.constant 176 : index
        %swap3A_337 = tpu.vector_load %swap3A_334[%swap3A_335, %swap3A_336] {strides = array<i32>} : memref<64x300xf32, #tpu.memory_space<vmem>>, vector<1x16xf32>,
        %swap3A_338 = vector.shape_cast %swap3A_337 : vector<1x16xf32> to vector<16xf32>
        %swap3A_339 = vector.shape_cast %get3A_330 : vector<16xf32> to vector<1x16xf32>
        tpu.vector_store %swap3A_334[%swap3A_335, %swap3A_336], %swap3A_339 {strides = array<i32>} : memref<64x300xf32, #tpu.memory_space<vmem>>, vector<1x16xf32>,
        %get3A_340 = arith.constant 0 : i32
        %get3A_341 = arith.constant 0 : i32
        %get3A_342 = tpu.memref_slice %arg6[%scan3A_66, %get3A_340, %get3A_341] : memref<2x64x384xf32, #tpu.memory_space<vmem>> -> memref<1x64x384xf32, #tpu.memory_space<vmem>>
        %get3A_343 = tpu.memref_squeeze %get3A_342 : memref<1x64x384xf32, #tpu.memory_space<vmem>> -> memref<64x384xf32, #tpu.memory_space<vmem>>
        %get3A_344 = arith.index_cast %scan3A_137 : i32 to index
        %get3A_345 = arith.constant 192 : index
        %get3A_346 = tpu.vector_load %get3A_343[%get3A_344, %get3A_345] {strides = array<i32>} : memref<64x384xf32, #tpu.memory_space<vmem>>, vector<1x16xf32>,
        %get3A_347 = vector.shape_cast %get3A_346 : vector<1x16xf32> to vector<16xf32>
        %swap3A_348 = arith.constant 0 : i32
        %swap3A_349 = arith.constant 0 : i32
        %swap3A_350 = tpu.memref_slice %arg7[%scan3A_67, %swap3A_348, %swap3A_349] : memref<2x64x300xf32, #tpu.memory_space<vmem>> -> memref<1x64x300xf32, #tpu.memory_space<vmem>>
        %swap3A_351 = tpu.memref_squeeze %swap3A_350 : memref<1x64x300xf32, #tpu.memory_space<vmem>> -> memref<64x300xf32, #tpu.memory_space<vmem>>
        %swap3A_352 = arith.index_cast %scan3A_137 : i32 to index
        %swap3A_353 = arith.constant 192 : index
        %swap3A_354 = tpu.vector_load %swap3A_351[%swap3A_352, %swap3A_353] {strides = array<i32>} : memref<64x300xf32, #tpu.memory_space<vmem>>, vector<1x16xf32>,
        %swap3A_355 = vector.shape_cast %swap3A_354 : vector<1x16xf32> to vector<16xf32>
        %swap3A_356 = vector.shape_cast %get3A_347 : vector<16xf32> to vector<1x16xf32>
        tpu.vector_store %swap3A_351[%swap3A_352, %swap3A_353], %swap3A_356 {strides = array<i32>} : memref<64x300xf32, #tpu.memory_space<vmem>>, vector<1x16xf32>,
        %get3A_357 = arith.constant 0 : i32
        %get3A_358 = arith.constant 0 : i32
        %get3A_359 = tpu.memref_slice %arg6[%scan3A_66, %get3A_357, %get3A_358] : memref<2x64x384xf32, #tpu.memory_space<vmem>> -> memref<1x64x384xf32, #tpu.memory_space<vmem>>
        %get3A_360 = tpu.memref_squeeze %get3A_359 : memref<1x64x384xf32, #tpu.memory_space<vmem>> -> memref<64x384xf32, #tpu.memory_space<vmem>>
        %get3A_361 = arith.index_cast %scan3A_137 : i32 to index
        %get3A_362 = arith.constant 208 : index
        %get3A_363 = tpu.vector_load %get3A_360[%get3A_361, %get3A_362] {strides = array<i32>} : memref<64x384xf32, #tpu.memory_space<vmem>>, vector<1x16xf32>,
        %get3A_364 = vector.shape_cast %get3A_363 : vector<1x16xf32> to vector<16xf32>
        %swap3A_365 = arith.constant 0 : i32
        %swap3A_366 = arith.constant 0 : i32
        %swap3A_367 = tpu.memref_slice %arg7[%scan3A_67, %swap3A_365, %swap3A_366] : memref<2x64x300xf32, #tpu.memory_space<vmem>> -> memref<1x64x300xf32, #tpu.memory_space<vmem>>
        %swap3A_368 = tpu.memref_squeeze %swap3A_367 : memref<1x64x300xf32, #tpu.memory_space<vmem>> -> memref<64x300xf32, #tpu.memory_space<vmem>>
        %swap3A_369 = arith.index_cast %scan3A_137 : i32 to index
        %swap3A_370 = arith.constant 208 : index
        %swap3A_371 = tpu.vector_load %swap3A_368[%swap3A_369, %swap3A_370] {strides = array<i32>} : memref<64x300xf32, #tpu.memory_space<vmem>>, vector<1x16xf32>,
        %swap3A_372 = vector.shape_cast %swap3A_371 : vector<1x16xf32> to vector<16xf32>
        %swap3A_373 = vector.shape_cast %get3A_364 : vector<16xf32> to vector<1x16xf32>
        tpu.vector_store %swap3A_368[%swap3A_369, %swap3A_370], %swap3A_373 {strides = array<i32>} : memref<64x300xf32, #tpu.memory_space<vmem>>, vector<1x16xf32>,
        %get3A_374 = arith.constant 0 : i32
        %get3A_375 = arith.constant 0 : i32
        %get3A_376 = tpu.memref_slice %arg6[%scan3A_66, %get3A_374, %get3A_375] : memref<2x64x384xf32, #tpu.memory_space<vmem>> -> memref<1x64x384xf32, #tpu.memory_space<vmem>>
        %get3A_377 = tpu.memref_squeeze %get3A_376 : memref<1x64x384xf32, #tpu.memory_space<vmem>> -> memref<64x384xf32, #tpu.memory_space<vmem>>
        %get3A_378 = arith.index_cast %scan3A_137 : i32 to index
        %get3A_379 = arith.constant 224 : index
        %get3A_380 = tpu.vector_load %get3A_377[%get3A_378, %get3A_379] {strides = array<i32>} : memref<64x384xf32, #tpu.memory_space<vmem>>, vector<1x16xf32>,
        %get3A_381 = vector.shape_cast %get3A_380 : vector<1x16xf32> to vector<16xf32>
        %swap3A_382 = arith.constant 0 : i32
        %swap3A_383 = arith.constant 0 : i32
        %swap3A_384 = tpu.memref_slice %arg7[%scan3A_67, %swap3A_382, %swap3A_383] : memref<2x64x300xf32, #tpu.memory_space<vmem>> -> memref<1x64x300xf32, #tpu.memory_space<vmem>>
        %swap3A_385 = tpu.memref_squeeze %swap3A_384 : memref<1x64x300xf32, #tpu.memory_space<vmem>> -> memref<64x300xf32, #tpu.memory_space<vmem>>
        %swap3A_386 = arith.index_cast %scan3A_137 : i32 to index
        %swap3A_387 = arith.constant 224 : index
        %swap3A_388 = tpu.vector_load %swap3A_385[%swap3A_386, %swap3A_387] {strides = array<i32>} : memref<64x300xf32, #tpu.memory_space<vmem>>, vector<1x16xf32>,
        %swap3A_389 = vector.shape_cast %swap3A_388 : vector<1x16xf32> to vector<16xf32>
        %swap3A_390 = vector.shape_cast %get3A_381 : vector<16xf32> to vector<1x16xf32>
        tpu.vector_store %swap3A_385[%swap3A_386, %swap3A_387], %swap3A_390 {strides = array<i32>} : memref<64x300xf32, #tpu.memory_space<vmem>>, vector<1x16xf32>,
        %get3A_391 = arith.constant 0 : i32
        %get3A_392 = arith.constant 0 : i32
        %get3A_393 = tpu.memref_slice %arg6[%scan3A_66, %get3A_391, %get3A_392] : memref<2x64x384xf32, #tpu.memory_space<vmem>> -> memref<1x64x384xf32, #tpu.memory_space<vmem>>
        %get3A_394 = tpu.memref_squeeze %get3A_393 : memref<1x64x384xf32, #tpu.memory_space<vmem>> -> memref<64x384xf32, #tpu.memory_space<vmem>>
        %get3A_395 = arith.index_cast %scan3A_137 : i32 to index
        %get3A_396 = arith.constant 240 : index
        %get3A_397 = tpu.vector_load %get3A_394[%get3A_395, %get3A_396] {strides = array<i32>} : memref<64x384xf32, #tpu.memory_space<vmem>>, vector<1x16xf32>,
        %get3A_398 = vector.shape_cast %get3A_397 : vector<1x16xf32> to vector<16xf32>
        %swap3A_399 = arith.constant 0 : i32
        %swap3A_400 = arith.constant 0 : i32
        %swap3A_401 = tpu.memref_slice %arg7[%scan3A_67, %swap3A_399, %swap3A_400] : memref<2x64x300xf32, #tpu.memory_space<vmem>> -> memref<1x64x300xf32, #tpu.memory_space<vmem>>
        %swap3A_402 = tpu.memref_squeeze %swap3A_401 : memref<1x64x300xf32, #tpu.memory_space<vmem>> -> memref<64x300xf32, #tpu.memory_space<vmem>>
        %swap3A_403 = arith.index_cast %scan3A_137 : i32 to index
        %swap3A_404 = arith.constant 240 : index
        %swap3A_405 = tpu.vector_load %swap3A_402[%swap3A_403, %swap3A_404] {strides = array<i32>} : memref<64x300xf32, #tpu.memory_space<vmem>>, vector<1x16xf32>,
        %swap3A_406 = vector.shape_cast %swap3A_405 : vector<1x16xf32> to vector<16xf32>
        %swap3A_407 = vector.shape_cast %get3A_398 : vector<16xf32> to vector<1x16xf32>
        tpu.vector_store %swap3A_402[%swap3A_403, %swap3A_404], %swap3A_407 {strides = array<i32>} : memref<64x300xf32, #tpu.memory_space<vmem>>, vector<1x16xf32>,
        %get3A_408 = arith.constant 0 : i32
        %get3A_409 = arith.constant 0 : i32
        %get3A_410 = tpu.memref_slice %arg6[%scan3A_66, %get3A_408, %get3A_409] : memref<2x64x384xf32, #tpu.memory_space<vmem>> -> memref<1x64x384xf32, #tpu.memory_space<vmem>>
        %get3A_411 = tpu.memref_squeeze %get3A_410 : memref<1x64x384xf32, #tpu.memory_space<vmem>> -> memref<64x384xf32, #tpu.memory_space<vmem>>
        %get3A_412 = arith.index_cast %scan3A_137 : i32 to index
        %get3A_413 = arith.constant 256 : index
        %get3A_414 = tpu.vector_load %get3A_411[%get3A_412, %get3A_413] {strides = array<i32>} : memref<64x384xf32, #tpu.memory_space<vmem>>, vector<1x16xf32>,
        %get3A_415 = vector.shape_cast %get3A_414 : vector<1x16xf32> to vector<16xf32>
        %swap3A_416 = arith.constant 0 : i32
        %swap3A_417 = arith.constant 0 : i32
        %swap3A_418 = tpu.memref_slice %arg7[%scan3A_67, %swap3A_416, %swap3A_417] : memref<2x64x300xf32, #tpu.memory_space<vmem>> -> memref<1x64x300xf32, #tpu.memory_space<vmem>>
        %swap3A_419 = tpu.memref_squeeze %swap3A_418 : memref<1x64x300xf32, #tpu.memory_space<vmem>> -> memref<64x300xf32, #tpu.memory_space<vmem>>
        %swap3A_420 = arith.index_cast %scan3A_137 : i32 to index
        %swap3A_421 = arith.constant 256 : index
        %swap3A_422 = tpu.vector_load %swap3A_419[%swap3A_420, %swap3A_421] {strides = array<i32>} : memref<64x300xf32, #tpu.memory_space<vmem>>, vector<1x16xf32>,
        %swap3A_423 = vector.shape_cast %swap3A_422 : vector<1x16xf32> to vector<16xf32>
        %swap3A_424 = vector.shape_cast %get3A_415 : vector<16xf32> to vector<1x16xf32>
        tpu.vector_store %swap3A_419[%swap3A_420, %swap3A_421], %swap3A_424 {strides = array<i32>} : memref<64x300xf32, #tpu.memory_space<vmem>>, vector<1x16xf32>,
        %get3A_425 = arith.constant 0 : i32
        %get3A_426 = arith.constant 0 : i32
        %get3A_427 = tpu.memref_slice %arg6[%scan3A_66, %get3A_425, %get3A_426] : memref<2x64x384xf32, #tpu.memory_space<vmem>> -> memref<1x64x384xf32, #tpu.memory_space<vmem>>
        %get3A_428 = tpu.memref_squeeze %get3A_427 : memref<1x64x384xf32, #tpu.memory_space<vmem>> -> memref<64x384xf32, #tpu.memory_space<vmem>>
        %get3A_429 = arith.index_cast %scan3A_137 : i32 to index
        %get3A_430 = arith.constant 272 : index
        %get3A_431 = tpu.vector_load %get3A_428[%get3A_429, %get3A_430] {strides = array<i32>} : memref<64x384xf32, #tpu.memory_space<vmem>>, vector<1x16xf32>,
        %get3A_432 = vector.shape_cast %get3A_431 : vector<1x16xf32> to vector<16xf32>
        %swap3A_433 = arith.constant 0 : i32
        %swap3A_434 = arith.constant 0 : i32
        %swap3A_435 = tpu.memref_slice %arg7[%scan3A_67, %swap3A_433, %swap3A_434] : memref<2x64x300xf32, #tpu.memory_space<vmem>> -> memref<1x64x300xf32, #tpu.memory_space<vmem>>
        %swap3A_436 = tpu.memref_squeeze %swap3A_435 : memref<1x64x300xf32, #tpu.memory_space<vmem>> -> memref<64x300xf32, #tpu.memory_space<vmem>>
        %swap3A_437 = arith.index_cast %scan3A_137 : i32 to index
        %swap3A_438 = arith.constant 272 : index
        %swap3A_439 = tpu.vector_load %swap3A_436[%swap3A_437, %swap3A_438] {strides = array<i32>} : memref<64x300xf32, #tpu.memory_space<vmem>>, vector<1x16xf32>,
        %swap3A_440 = vector.shape_cast %swap3A_439 : vector<1x16xf32> to vector<16xf32>
        %swap3A_441 = vector.shape_cast %get3A_432 : vector<16xf32> to vector<1x16xf32>
        tpu.vector_store %swap3A_436[%swap3A_437, %swap3A_438], %swap3A_441 {strides = array<i32>} : memref<64x300xf32, #tpu.memory_space<vmem>>, vector<1x16xf32>,
        %get3A_442 = arith.constant 0 : i32
        %get3A_443 = arith.constant 0 : i32
        %get3A_444 = tpu.memref_slice %arg6[%scan3A_66, %get3A_442, %get3A_443] : memref<2x64x384xf32, #tpu.memory_space<vmem>> -> memref<1x64x384xf32, #tpu.memory_space<vmem>>
        %get3A_445 = tpu.memref_squeeze %get3A_444 : memref<1x64x384xf32, #tpu.memory_space<vmem>> -> memref<64x384xf32, #tpu.memory_space<vmem>>
        %get3A_446 = arith.index_cast %scan3A_137 : i32 to index
        %get3A_447 = arith.constant 284 : index
        %get3A_448 = tpu.vector_load %get3A_445[%get3A_446, %get3A_447] {strides = array<i32>} : memref<64x384xf32, #tpu.memory_space<vmem>>, vector<1x16xf32>,
        %get3A_449 = vector.shape_cast %get3A_448 : vector<1x16xf32> to vector<16xf32>
        %swap3A_450 = arith.constant 0 : i32
        %swap3A_451 = arith.constant 0 : i32
        %swap3A_452 = tpu.memref_slice %arg7[%scan3A_67, %swap3A_450, %swap3A_451] : memref<2x64x300xf32, #tpu.memory_space<vmem>> -> memref<1x64x300xf32, #tpu.memory_space<vmem>>
        %swap3A_453 = tpu.memref_squeeze %swap3A_452 : memref<1x64x300xf32, #tpu.memory_space<vmem>> -> memref<64x300xf32, #tpu.memory_space<vmem>>
        %swap3A_454 = arith.index_cast %scan3A_137 : i32 to index
        %swap3A_455 = arith.constant 284 : index
        %swap3A_456 = tpu.vector_load %swap3A_453[%swap3A_454, %swap3A_455] {strides = array<i32>} : memref<64x300xf32, #tpu.memory_space<vmem>>, vector<1x16xf32>,
        %swap3A_457 = vector.shape_cast %swap3A_456 : vector<1x16xf32> to vector<16xf32>
        %swap3A_458 = vector.shape_cast %get3A_449 : vector<16xf32> to vector<1x16xf32>
        tpu.vector_store %swap3A_453[%swap3A_454, %swap3A_455], %swap3A_458 {strides = array<i32>} : memref<64x300xf32, #tpu.memory_space<vmem>>, vector<1x16xf32>,
      }
      %scan3A_72 = arith.constant 64 : i32
      %mul3A_73 = arith.constant 64 : i32
      %mul3A_74 = arith.muli %add3A_46, %mul3A_73 : i32
      %add3A_75 = arith.addi %mul3A_2, %mul3A_74 : i32
      %dma_start3A_76 = arith.constant 0 : i32
      %dma_start3A_77 = arith.constant 0 : i32
      %dma_start3A_78 = arith.constant 0 : i32
      %dma_start3A_79 = tpu.memref_slice %arg7[%dma_start3A_76, %dma_start3A_77, %dma_start3A_78] : memref<2x64x300xf32, #tpu.memory_space<vmem>> -> memref<1x64x300xf32, #tpu.memory_space<vmem>>
      %dma_start3A_80 = tpu.memref_squeeze %dma_start3A_79 : memref<1x64x300xf32, #tpu.memory_space<vmem>> -> memref<64x300xf32, #tpu.memory_space<vmem>>
      %dma_start3A_81 = arith.constant 0 : i32
      %dma_start3A_82 = tpu.memref_slice %arg4[%add3A_75, %dma_start3A_81] : memref<819200x300xf32, #tpu.memory_space<hbm>> -> memref<64x300xf32, #tpu.memory_space<hbm>>
      %dma_start3A_83 = arith.constant 0 : i32
      %dma_start3A_84 = tpu.memref_slice %arg4[%add3A_75, %dma_start3A_83] : memref<819200x300xf32, #tpu.memory_space<hbm>> -> memref<64x300xf32, #tpu.memory_space<hbm>>
      %dma_start3A_85 = arith.constant 0 : i32
      %dma_start3A_86 = arith.constant 0 : i32
      %dma_start3A_87 = tpu.memref_slice %arg7[%dma_start3A_76, %dma_start3A_85, %dma_start3A_86] : memref<2x64x300xf32, #tpu.memory_space<vmem>> -> memref<1x64x300xf32, #tpu.memory_space<vmem>>
      %dma_start3A_88 = tpu.memref_squeeze %dma_start3A_87 : memref<1x64x300xf32, #tpu.memory_space<vmem>> -> memref<64x300xf32, #tpu.memory_space<vmem>>
      tpu.enqueue_dma source(%dma_start3A_88 : memref<64x300xf32, #tpu.memory_space<vmem>>) target(%dma_start3A_84 : memref<64x300xf32, #tpu.memory_space<hbm>>) target_semaphore(%arg10 : memref<!tpu.dma_semaphore, #tpu.memory_space<semaphore_mem>>)
      %add3A_89 = arith.constant 1 : i32
      %add3A_90 = arith.addi %mul3A_44, %add3A_89 : i32
      %add3A_91 = arith.constant 1 : i32
      %add3A_92 = arith.addi %add3A_90, %add3A_91 : i32
      %lt3A_93 = arith.constant 400 : i32
      %lt3A_94 = arith.cmpi slt, %add3A_92, %lt3A_93 : i32
      %convert_element_type3A_95 = arith.extui %lt3A_94 : i1 to i32
      %cond3A_96 = arith.constant 0 : i32
      %cond3A_97 = arith.cmpi ne, %convert_element_type3A_95, %cond3A_96 : i32
      scf.if %cond3A_97 {
        %add3A_137 = arith.constant 1 : i32
        %add3A_138 = arith.addi %add3A_90, %add3A_137 : i32
        %mul3A_139 = arith.constant 64 : i32
        %mul3A_140 = arith.muli %add3A_138, %mul3A_139 : i32
        %dma_start3A_141 = arith.constant 0 : i32
        %dma_start3A_142 = arith.constant 0 : i32
        %dma_start3A_143 = arith.constant 0 : i32
        %dma_start3A_144 = tpu.memref_slice %arg6[%dma_start3A_141, %dma_start3A_142, %dma_start3A_143] : memref<2x64x384xf32, #tpu.memory_space<vmem>> -> memref<1x64x384xf32, #tpu.memory_space<vmem>>
        %dma_start3A_145 = tpu.memref_squeeze %dma_start3A_144 : memref<1x64x384xf32, #tpu.memory_space<vmem>> -> memref<64x384xf32, #tpu.memory_space<vmem>>
        %dma_start3A_146 = tpu.memref_slice %arg5[%mul3A_140] : memref<25600xi32, #tpu.memory_space<vmem>> -> memref<64xi32, #tpu.memory_space<vmem>>
        %dma_start3A_147 = arith.constant 0 : i32
        %dma_start3A_148 = arith.constant 0 : i32
        %dma_start3A_149 = tpu.memref_slice %arg2[%dma_start3A_147, %dma_start3A_148] : memref<100000x384xf32, #tpu.memory_space<hbm>> -> memref<100000x384xf32, #tpu.memory_space<hbm>>
        tpu.enqueue_indirect_dma source(%dma_start3A_149 : memref<100000x384xf32, #tpu.memory_space<hbm>>) target(%dma_start3A_145 : memref<64x384xf32, #tpu.memory_space<vmem>>) offsets(%dma_start3A_146 : memref<64xi32, #tpu.memory_space<vmem>>) semaphore(%arg8 : memref<!tpu.dma_semaphore, #tpu.memory_space<semaphore_mem>>)
      } else {
      }
      %ge3A_98 = arith.constant 2 : i32
      %ge3A_99 = arith.cmpi sge, %add3A_90, %ge3A_98 : i32
      %convert_element_type3A_100 = arith.extui %ge3A_99 : i1 to i32
      %cond3A_101 = arith.constant 0 : i32
      %cond3A_102 = arith.cmpi ne, %convert_element_type3A_100, %cond3A_101 : i32
      scf.if %cond3A_102 {
        %dma_wait3A_137 = arith.constant 1 : i32
        %dma_wait3A_138 = arith.constant 0 : i32
        %dma_wait3A_139 = arith.constant 0 : i32
        %dma_wait3A_140 = tpu.memref_slice %arg7[%dma_wait3A_137, %dma_wait3A_138, %dma_wait3A_139] : memref<2x64x300xf32, #tpu.memory_space<vmem>> -> memref<1x64x300xf32, #tpu.memory_space<vmem>>
        %dma_wait3A_141 = tpu.memref_squeeze %dma_wait3A_140 : memref<1x64x300xf32, #tpu.memory_space<vmem>> -> memref<64x300xf32, #tpu.memory_space<vmem>>
        %dma_wait3A_142 = arith.constant 0 : i32
        %dma_wait3A_143 = tpu.memref_slice %arg4[%mul3A_2, %dma_wait3A_142] : memref<819200x300xf32, #tpu.memory_space<hbm>> -> memref<64x300xf32, #tpu.memory_space<hbm>>
        %dma_wait3A_144 = arith.constant 0 : i32
        %dma_wait3A_145 = tpu.memref_slice %arg4[%mul3A_2, %dma_wait3A_144] : memref<819200x300xf32, #tpu.memory_space<hbm>> -> memref<64x300xf32, #tpu.memory_space<hbm>>
        %dma_wait3A_146 = arith.constant 0 : i32
        %dma_wait3A_147 = arith.constant 0 : i32
        %dma_wait3A_148 = tpu.memref_slice %arg7[%dma_wait3A_137, %dma_wait3A_146, %dma_wait3A_147] : memref<2x64x300xf32, #tpu.memory_space<vmem>> -> memref<1x64x300xf32, #tpu.memory_space<vmem>>
        %dma_wait3A_149 = tpu.memref_squeeze %dma_wait3A_148 : memref<1x64x300xf32, #tpu.memory_space<vmem>> -> memref<64x300xf32, #tpu.memory_space<vmem>>
        tpu.wait_dma2 semaphore(%arg11 : memref<!tpu.dma_semaphore, #tpu.memory_space<semaphore_mem>>) src(%dma_wait3A_149 : memref<64x300xf32, #tpu.memory_space<vmem>>) dst(%dma_wait3A_145 : memref<64x300xf32, #tpu.memory_space<hbm>>)
      } else {
      }
      %dma_wait3A_103 = arith.constant 1 : i32
      %dma_wait3A_104 = arith.constant 0 : i32
      %dma_wait3A_105 = arith.constant 0 : i32
      %dma_wait3A_106 = tpu.memref_slice %arg6[%dma_wait3A_103, %dma_wait3A_104, %dma_wait3A_105] : memref<2x64x384xf32, #tpu.memory_space<vmem>> -> memref<1x64x384xf32, #tpu.memory_space<vmem>>
      %dma_wait3A_107 = tpu.memref_squeeze %dma_wait3A_106 : memref<1x64x384xf32, #tpu.memory_space<vmem>> -> memref<64x384xf32, #tpu.memory_space<vmem>>
      %dma_wait3A_108 = arith.constant 0 : i32
      %dma_wait3A_109 = tpu.memref_slice %arg5[%dma_wait3A_108] : memref<25600xi32, #tpu.memory_space<vmem>> -> memref<64xi32, #tpu.memory_space<vmem>>
      %dma_wait3A_110 = arith.constant 0 : i32
      %dma_wait3A_111 = arith.constant 0 : i32
      %dma_wait3A_112 = tpu.memref_slice %arg2[%dma_wait3A_110, %dma_wait3A_111] : memref<100000x384xf32, #tpu.memory_space<hbm>> -> memref<100000x384xf32, #tpu.memory_space<hbm>>
      tpu.wait_indirect_dma semaphore(%arg9 : memref<!tpu.dma_semaphore, #tpu.memory_space<semaphore_mem>>) src(%dma_wait3A_112 : memref<100000x384xf32, #tpu.memory_space<hbm>>) dst(%dma_wait3A_107 : memref<64x384xf32, #tpu.memory_space<vmem>>)
      %scan3A_113 = arith.constant 0 : i32
      %scan3A_114 = arith.constant 1 : i32
      %scan3A_115 = arith.constant 1 : i32
      %scan3A_116 = arith.constant 0 : i32
      %scan3A_117 = arith.constant 64 : i32
      %scan3A_118 = arith.addi %scan3A_116, %scan3A_117 : i32
      %scan3A_119 = arith.constant 1 : i32
      scf.for %scan3A_137 = %scan3A_116 to %scan3A_118 step %scan3A_119  : i32 {
        %get3A = arith.constant 0 : i32
        %get3A_138 = arith.constant 0 : i32
        %get3A_139 = tpu.memref_slice %arg6[%scan3A_114, %get3A, %get3A_138] : memref<2x64x384xf32, #tpu.memory_space<vmem>> -> memref<1x64x384xf32, #tpu.memory_space<vmem>>
        %get3A_140 = tpu.memref_squeeze %get3A_139 : memref<1x64x384xf32, #tpu.memory_space<vmem>> -> memref<64x384xf32, #tpu.memory_space<vmem>>
        %get3A_141 = arith.index_cast %scan3A_137 : i32 to index
        %get3A_142 = arith.constant 0 : index
        %get3A_143 = tpu.vector_load %get3A_140[%get3A_141, %get3A_142] {strides = array<i32>} : memref<64x384xf32, #tpu.memory_space<vmem>>, vector<1x16xf32>,
        %get3A_144 = vector.shape_cast %get3A_143 : vector<1x16xf32> to vector<16xf32>
        %swap3A = arith.constant 0 : i32
        %swap3A_145 = arith.constant 0 : i32
        %swap3A_146 = tpu.memref_slice %arg7[%scan3A_115, %swap3A, %swap3A_145] : memref<2x64x300xf32, #tpu.memory_space<vmem>> -> memref<1x64x300xf32, #tpu.memory_space<vmem>>
        %swap3A_147 = tpu.memref_squeeze %swap3A_146 : memref<1x64x300xf32, #tpu.memory_space<vmem>> -> memref<64x300xf32, #tpu.memory_space<vmem>>
        %swap3A_148 = arith.index_cast %scan3A_137 : i32 to index
        %swap3A_149 = arith.constant 0 : index
        %swap3A_150 = tpu.vector_load %swap3A_147[%swap3A_148, %swap3A_149] {strides = array<i32>} : memref<64x300xf32, #tpu.memory_space<vmem>>, vector<1x16xf32>,
        %swap3A_151 = vector.shape_cast %swap3A_150 : vector<1x16xf32> to vector<16xf32>
        %swap3A_152 = vector.shape_cast %get3A_144 : vector<16xf32> to vector<1x16xf32>
        tpu.vector_store %swap3A_147[%swap3A_148, %swap3A_149], %swap3A_152 {strides = array<i32>} : memref<64x300xf32, #tpu.memory_space<vmem>>, vector<1x16xf32>,
        %get3A_153 = arith.constant 0 : i32
        %get3A_154 = arith.constant 0 : i32
        %get3A_155 = tpu.memref_slice %arg6[%scan3A_114, %get3A_153, %get3A_154] : memref<2x64x384xf32, #tpu.memory_space<vmem>> -> memref<1x64x384xf32, #tpu.memory_space<vmem>>
        %get3A_156 = tpu.memref_squeeze %get3A_155 : memref<1x64x384xf32, #tpu.memory_space<vmem>> -> memref<64x384xf32, #tpu.memory_space<vmem>>
        %get3A_157 = arith.index_cast %scan3A_137 : i32 to index
        %get3A_158 = arith.constant 16 : index
        %get3A_159 = tpu.vector_load %get3A_156[%get3A_157, %get3A_158] {strides = array<i32>} : memref<64x384xf32, #tpu.memory_space<vmem>>, vector<1x16xf32>,
        %get3A_160 = vector.shape_cast %get3A_159 : vector<1x16xf32> to vector<16xf32>
        %swap3A_161 = arith.constant 0 : i32
        %swap3A_162 = arith.constant 0 : i32
        %swap3A_163 = tpu.memref_slice %arg7[%scan3A_115, %swap3A_161, %swap3A_162] : memref<2x64x300xf32, #tpu.memory_space<vmem>> -> memref<1x64x300xf32, #tpu.memory_space<vmem>>
        %swap3A_164 = tpu.memref_squeeze %swap3A_163 : memref<1x64x300xf32, #tpu.memory_space<vmem>> -> memref<64x300xf32, #tpu.memory_space<vmem>>
        %swap3A_165 = arith.index_cast %scan3A_137 : i32 to index
        %swap3A_166 = arith.constant 16 : index
        %swap3A_167 = tpu.vector_load %swap3A_164[%swap3A_165, %swap3A_166] {strides = array<i32>} : memref<64x300xf32, #tpu.memory_space<vmem>>, vector<1x16xf32>,
        %swap3A_168 = vector.shape_cast %swap3A_167 : vector<1x16xf32> to vector<16xf32>
        %swap3A_169 = vector.shape_cast %get3A_160 : vector<16xf32> to vector<1x16xf32>
        tpu.vector_store %swap3A_164[%swap3A_165, %swap3A_166], %swap3A_169 {strides = array<i32>} : memref<64x300xf32, #tpu.memory_space<vmem>>, vector<1x16xf32>,
        %get3A_170 = arith.constant 0 : i32
        %get3A_171 = arith.constant 0 : i32
        %get3A_172 = tpu.memref_slice %arg6[%scan3A_114, %get3A_170, %get3A_171] : memref<2x64x384xf32, #tpu.memory_space<vmem>> -> memref<1x64x384xf32, #tpu.memory_space<vmem>>
        %get3A_173 = tpu.memref_squeeze %get3A_172 : memref<1x64x384xf32, #tpu.memory_space<vmem>> -> memref<64x384xf32, #tpu.memory_space<vmem>>
        %get3A_174 = arith.index_cast %scan3A_137 : i32 to index
        %get3A_175 = arith.constant 32 : index
        %get3A_176 = tpu.vector_load %get3A_173[%get3A_174, %get3A_175] {strides = array<i32>} : memref<64x384xf32, #tpu.memory_space<vmem>>, vector<1x16xf32>,
        %get3A_177 = vector.shape_cast %get3A_176 : vector<1x16xf32> to vector<16xf32>
        %swap3A_178 = arith.constant 0 : i32
        %swap3A_179 = arith.constant 0 : i32
        %swap3A_180 = tpu.memref_slice %arg7[%scan3A_115, %swap3A_178, %swap3A_179] : memref<2x64x300xf32, #tpu.memory_space<vmem>> -> memref<1x64x300xf32, #tpu.memory_space<vmem>>
        %swap3A_181 = tpu.memref_squeeze %swap3A_180 : memref<1x64x300xf32, #tpu.memory_space<vmem>> -> memref<64x300xf32, #tpu.memory_space<vmem>>
        %swap3A_182 = arith.index_cast %scan3A_137 : i32 to index
        %swap3A_183 = arith.constant 32 : index
        %swap3A_184 = tpu.vector_load %swap3A_181[%swap3A_182, %swap3A_183] {strides = array<i32>} : memref<64x300xf32, #tpu.memory_space<vmem>>, vector<1x16xf32>,
        %swap3A_185 = vector.shape_cast %swap3A_184 : vector<1x16xf32> to vector<16xf32>
        %swap3A_186 = vector.shape_cast %get3A_177 : vector<16xf32> to vector<1x16xf32>
        tpu.vector_store %swap3A_181[%swap3A_182, %swap3A_183], %swap3A_186 {strides = array<i32>} : memref<64x300xf32, #tpu.memory_space<vmem>>, vector<1x16xf32>,
        %get3A_187 = arith.constant 0 : i32
        %get3A_188 = arith.constant 0 : i32
        %get3A_189 = tpu.memref_slice %arg6[%scan3A_114, %get3A_187, %get3A_188] : memref<2x64x384xf32, #tpu.memory_space<vmem>> -> memref<1x64x384xf32, #tpu.memory_space<vmem>>
        %get3A_190 = tpu.memref_squeeze %get3A_189 : memref<1x64x384xf32, #tpu.memory_space<vmem>> -> memref<64x384xf32, #tpu.memory_space<vmem>>
        %get3A_191 = arith.index_cast %scan3A_137 : i32 to index
        %get3A_192 = arith.constant 48 : index
        %get3A_193 = tpu.vector_load %get3A_190[%get3A_191, %get3A_192] {strides = array<i32>} : memref<64x384xf32, #tpu.memory_space<vmem>>, vector<1x16xf32>,
        %get3A_194 = vector.shape_cast %get3A_193 : vector<1x16xf32> to vector<16xf32>
        %swap3A_195 = arith.constant 0 : i32
        %swap3A_196 = arith.constant 0 : i32
        %swap3A_197 = tpu.memref_slice %arg7[%scan3A_115, %swap3A_195, %swap3A_196] : memref<2x64x300xf32, #tpu.memory_space<vmem>> -> memref<1x64x300xf32, #tpu.memory_space<vmem>>
        %swap3A_198 = tpu.memref_squeeze %swap3A_197 : memref<1x64x300xf32, #tpu.memory_space<vmem>> -> memref<64x300xf32, #tpu.memory_space<vmem>>
        %swap3A_199 = arith.index_cast %scan3A_137 : i32 to index
        %swap3A_200 = arith.constant 48 : index
        %swap3A_201 = tpu.vector_load %swap3A_198[%swap3A_199, %swap3A_200] {strides = array<i32>} : memref<64x300xf32, #tpu.memory_space<vmem>>, vector<1x16xf32>,
        %swap3A_202 = vector.shape_cast %swap3A_201 : vector<1x16xf32> to vector<16xf32>
        %swap3A_203 = vector.shape_cast %get3A_194 : vector<16xf32> to vector<1x16xf32>
        tpu.vector_store %swap3A_198[%swap3A_199, %swap3A_200], %swap3A_203 {strides = array<i32>} : memref<64x300xf32, #tpu.memory_space<vmem>>, vector<1x16xf32>,
        %get3A_204 = arith.constant 0 : i32
        %get3A_205 = arith.constant 0 : i32
        %get3A_206 = tpu.memref_slice %arg6[%scan3A_114, %get3A_204, %get3A_205] : memref<2x64x384xf32, #tpu.memory_space<vmem>> -> memref<1x64x384xf32, #tpu.memory_space<vmem>>
        %get3A_207 = tpu.memref_squeeze %get3A_206 : memref<1x64x384xf32, #tpu.memory_space<vmem>> -> memref<64x384xf32, #tpu.memory_space<vmem>>
        %get3A_208 = arith.index_cast %scan3A_137 : i32 to index
        %get3A_209 = arith.constant 64 : index
        %get3A_210 = tpu.vector_load %get3A_207[%get3A_208, %get3A_209] {strides = array<i32>} : memref<64x384xf32, #tpu.memory_space<vmem>>, vector<1x16xf32>,
        %get3A_211 = vector.shape_cast %get3A_210 : vector<1x16xf32> to vector<16xf32>
        %swap3A_212 = arith.constant 0 : i32
        %swap3A_213 = arith.constant 0 : i32
        %swap3A_214 = tpu.memref_slice %arg7[%scan3A_115, %swap3A_212, %swap3A_213] : memref<2x64x300xf32, #tpu.memory_space<vmem>> -> memref<1x64x300xf32, #tpu.memory_space<vmem>>
        %swap3A_215 = tpu.memref_squeeze %swap3A_214 : memref<1x64x300xf32, #tpu.memory_space<vmem>> -> memref<64x300xf32, #tpu.memory_space<vmem>>
        %swap3A_216 = arith.index_cast %scan3A_137 : i32 to index
        %swap3A_217 = arith.constant 64 : index
        %swap3A_218 = tpu.vector_load %swap3A_215[%swap3A_216, %swap3A_217] {strides = array<i32>} : memref<64x300xf32, #tpu.memory_space<vmem>>, vector<1x16xf32>,
        %swap3A_219 = vector.shape_cast %swap3A_218 : vector<1x16xf32> to vector<16xf32>
        %swap3A_220 = vector.shape_cast %get3A_211 : vector<16xf32> to vector<1x16xf32>
        tpu.vector_store %swap3A_215[%swap3A_216, %swap3A_217], %swap3A_220 {strides = array<i32>} : memref<64x300xf32, #tpu.memory_space<vmem>>, vector<1x16xf32>,
        %get3A_221 = arith.constant 0 : i32
        %get3A_222 = arith.constant 0 : i32
        %get3A_223 = tpu.memref_slice %arg6[%scan3A_114, %get3A_221, %get3A_222] : memref<2x64x384xf32, #tpu.memory_space<vmem>> -> memref<1x64x384xf32, #tpu.memory_space<vmem>>
        %get3A_224 = tpu.memref_squeeze %get3A_223 : memref<1x64x384xf32, #tpu.memory_space<vmem>> -> memref<64x384xf32, #tpu.memory_space<vmem>>
        %get3A_225 = arith.index_cast %scan3A_137 : i32 to index
        %get3A_226 = arith.constant 80 : index
        %get3A_227 = tpu.vector_load %get3A_224[%get3A_225, %get3A_226] {strides = array<i32>} : memref<64x384xf32, #tpu.memory_space<vmem>>, vector<1x16xf32>,
        %get3A_228 = vector.shape_cast %get3A_227 : vector<1x16xf32> to vector<16xf32>
        %swap3A_229 = arith.constant 0 : i32
        %swap3A_230 = arith.constant 0 : i32
        %swap3A_231 = tpu.memref_slice %arg7[%scan3A_115, %swap3A_229, %swap3A_230] : memref<2x64x300xf32, #tpu.memory_space<vmem>> -> memref<1x64x300xf32, #tpu.memory_space<vmem>>
        %swap3A_232 = tpu.memref_squeeze %swap3A_231 : memref<1x64x300xf32, #tpu.memory_space<vmem>> -> memref<64x300xf32, #tpu.memory_space<vmem>>
        %swap3A_233 = arith.index_cast %scan3A_137 : i32 to index
        %swap3A_234 = arith.constant 80 : index
        %swap3A_235 = tpu.vector_load %swap3A_232[%swap3A_233, %swap3A_234] {strides = array<i32>} : memref<64x300xf32, #tpu.memory_space<vmem>>, vector<1x16xf32>,
        %swap3A_236 = vector.shape_cast %swap3A_235 : vector<1x16xf32> to vector<16xf32>
        %swap3A_237 = vector.shape_cast %get3A_228 : vector<16xf32> to vector<1x16xf32>
        tpu.vector_store %swap3A_232[%swap3A_233, %swap3A_234], %swap3A_237 {strides = array<i32>} : memref<64x300xf32, #tpu.memory_space<vmem>>, vector<1x16xf32>,
        %get3A_238 = arith.constant 0 : i32
        %get3A_239 = arith.constant 0 : i32
        %get3A_240 = tpu.memref_slice %arg6[%scan3A_114, %get3A_238, %get3A_239] : memref<2x64x384xf32, #tpu.memory_space<vmem>> -> memref<1x64x384xf32, #tpu.memory_space<vmem>>
        %get3A_241 = tpu.memref_squeeze %get3A_240 : memref<1x64x384xf32, #tpu.memory_space<vmem>> -> memref<64x384xf32, #tpu.memory_space<vmem>>
        %get3A_242 = arith.index_cast %scan3A_137 : i32 to index
        %get3A_243 = arith.constant 96 : index
        %get3A_244 = tpu.vector_load %get3A_241[%get3A_242, %get3A_243] {strides = array<i32>} : memref<64x384xf32, #tpu.memory_space<vmem>>, vector<1x16xf32>,
        %get3A_245 = vector.shape_cast %get3A_244 : vector<1x16xf32> to vector<16xf32>
        %swap3A_246 = arith.constant 0 : i32
        %swap3A_247 = arith.constant 0 : i32
        %swap3A_248 = tpu.memref_slice %arg7[%scan3A_115, %swap3A_246, %swap3A_247] : memref<2x64x300xf32, #tpu.memory_space<vmem>> -> memref<1x64x300xf32, #tpu.memory_space<vmem>>
        %swap3A_249 = tpu.memref_squeeze %swap3A_248 : memref<1x64x300xf32, #tpu.memory_space<vmem>> -> memref<64x300xf32, #tpu.memory_space<vmem>>
        %swap3A_250 = arith.index_cast %scan3A_137 : i32 to index
        %swap3A_251 = arith.constant 96 : index
        %swap3A_252 = tpu.vector_load %swap3A_249[%swap3A_250, %swap3A_251] {strides = array<i32>} : memref<64x300xf32, #tpu.memory_space<vmem>>, vector<1x16xf32>,
        %swap3A_253 = vector.shape_cast %swap3A_252 : vector<1x16xf32> to vector<16xf32>
        %swap3A_254 = vector.shape_cast %get3A_245 : vector<16xf32> to vector<1x16xf32>
        tpu.vector_store %swap3A_249[%swap3A_250, %swap3A_251], %swap3A_254 {strides = array<i32>} : memref<64x300xf32, #tpu.memory_space<vmem>>, vector<1x16xf32>,
        %get3A_255 = arith.constant 0 : i32
        %get3A_256 = arith.constant 0 : i32
        %get3A_257 = tpu.memref_slice %arg6[%scan3A_114, %get3A_255, %get3A_256] : memref<2x64x384xf32, #tpu.memory_space<vmem>> -> memref<1x64x384xf32, #tpu.memory_space<vmem>>
        %get3A_258 = tpu.memref_squeeze %get3A_257 : memref<1x64x384xf32, #tpu.memory_space<vmem>> -> memref<64x384xf32, #tpu.memory_space<vmem>>
        %get3A_259 = arith.index_cast %scan3A_137 : i32 to index
        %get3A_260 = arith.constant 112 : index
        %get3A_261 = tpu.vector_load %get3A_258[%get3A_259, %get3A_260] {strides = array<i32>} : memref<64x384xf32, #tpu.memory_space<vmem>>, vector<1x16xf32>,
        %get3A_262 = vector.shape_cast %get3A_261 : vector<1x16xf32> to vector<16xf32>
        %swap3A_263 = arith.constant 0 : i32
        %swap3A_264 = arith.constant 0 : i32
        %swap3A_265 = tpu.memref_slice %arg7[%scan3A_115, %swap3A_263, %swap3A_264] : memref<2x64x300xf32, #tpu.memory_space<vmem>> -> memref<1x64x300xf32, #tpu.memory_space<vmem>>
        %swap3A_266 = tpu.memref_squeeze %swap3A_265 : memref<1x64x300xf32, #tpu.memory_space<vmem>> -> memref<64x300xf32, #tpu.memory_space<vmem>>
        %swap3A_267 = arith.index_cast %scan3A_137 : i32 to index
        %swap3A_268 = arith.constant 112 : index
        %swap3A_269 = tpu.vector_load %swap3A_266[%swap3A_267, %swap3A_268] {strides = array<i32>} : memref<64x300xf32, #tpu.memory_space<vmem>>, vector<1x16xf32>,
        %swap3A_270 = vector.shape_cast %swap3A_269 : vector<1x16xf32> to vector<16xf32>
        %swap3A_271 = vector.shape_cast %get3A_262 : vector<16xf32> to vector<1x16xf32>
        tpu.vector_store %swap3A_266[%swap3A_267, %swap3A_268], %swap3A_271 {strides = array<i32>} : memref<64x300xf32, #tpu.memory_space<vmem>>, vector<1x16xf32>,
        %get3A_272 = arith.constant 0 : i32
        %get3A_273 = arith.constant 0 : i32
        %get3A_274 = tpu.memref_slice %arg6[%scan3A_114, %get3A_272, %get3A_273] : memref<2x64x384xf32, #tpu.memory_space<vmem>> -> memref<1x64x384xf32, #tpu.memory_space<vmem>>
        %get3A_275 = tpu.memref_squeeze %get3A_274 : memref<1x64x384xf32, #tpu.memory_space<vmem>> -> memref<64x384xf32, #tpu.memory_space<vmem>>
        %get3A_276 = arith.index_cast %scan3A_137 : i32 to index
        %get3A_277 = arith.constant 128 : index
        %get3A_278 = tpu.vector_load %get3A_275[%get3A_276, %get3A_277] {strides = array<i32>} : memref<64x384xf32, #tpu.memory_space<vmem>>, vector<1x16xf32>,
        %get3A_279 = vector.shape_cast %get3A_278 : vector<1x16xf32> to vector<16xf32>
        %swap3A_280 = arith.constant 0 : i32
        %swap3A_281 = arith.constant 0 : i32
        %swap3A_282 = tpu.memref_slice %arg7[%scan3A_115, %swap3A_280, %swap3A_281] : memref<2x64x300xf32, #tpu.memory_space<vmem>> -> memref<1x64x300xf32, #tpu.memory_space<vmem>>
        %swap3A_283 = tpu.memref_squeeze %swap3A_282 : memref<1x64x300xf32, #tpu.memory_space<vmem>> -> memref<64x300xf32, #tpu.memory_space<vmem>>
        %swap3A_284 = arith.index_cast %scan3A_137 : i32 to index
        %swap3A_285 = arith.constant 128 : index
        %swap3A_286 = tpu.vector_load %swap3A_283[%swap3A_284, %swap3A_285] {strides = array<i32>} : memref<64x300xf32, #tpu.memory_space<vmem>>, vector<1x16xf32>,
        %swap3A_287 = vector.shape_cast %swap3A_286 : vector<1x16xf32> to vector<16xf32>
        %swap3A_288 = vector.shape_cast %get3A_279 : vector<16xf32> to vector<1x16xf32>
        tpu.vector_store %swap3A_283[%swap3A_284, %swap3A_285], %swap3A_288 {strides = array<i32>} : memref<64x300xf32, #tpu.memory_space<vmem>>, vector<1x16xf32>,
        %get3A_289 = arith.constant 0 : i32
        %get3A_290 = arith.constant 0 : i32
        %get3A_291 = tpu.memref_slice %arg6[%scan3A_114, %get3A_289, %get3A_290] : memref<2x64x384xf32, #tpu.memory_space<vmem>> -> memref<1x64x384xf32, #tpu.memory_space<vmem>>
        %get3A_292 = tpu.memref_squeeze %get3A_291 : memref<1x64x384xf32, #tpu.memory_space<vmem>> -> memref<64x384xf32, #tpu.memory_space<vmem>>
        %get3A_293 = arith.index_cast %scan3A_137 : i32 to index
        %get3A_294 = arith.constant 144 : index
        %get3A_295 = tpu.vector_load %get3A_292[%get3A_293, %get3A_294] {strides = array<i32>} : memref<64x384xf32, #tpu.memory_space<vmem>>, vector<1x16xf32>,
        %get3A_296 = vector.shape_cast %get3A_295 : vector<1x16xf32> to vector<16xf32>
        %swap3A_297 = arith.constant 0 : i32
        %swap3A_298 = arith.constant 0 : i32
        %swap3A_299 = tpu.memref_slice %arg7[%scan3A_115, %swap3A_297, %swap3A_298] : memref<2x64x300xf32, #tpu.memory_space<vmem>> -> memref<1x64x300xf32, #tpu.memory_space<vmem>>
        %swap3A_300 = tpu.memref_squeeze %swap3A_299 : memref<1x64x300xf32, #tpu.memory_space<vmem>> -> memref<64x300xf32, #tpu.memory_space<vmem>>
        %swap3A_301 = arith.index_cast %scan3A_137 : i32 to index
        %swap3A_302 = arith.constant 144 : index
        %swap3A_303 = tpu.vector_load %swap3A_300[%swap3A_301, %swap3A_302] {strides = array<i32>} : memref<64x300xf32, #tpu.memory_space<vmem>>, vector<1x16xf32>,
        %swap3A_304 = vector.shape_cast %swap3A_303 : vector<1x16xf32> to vector<16xf32>
        %swap3A_305 = vector.shape_cast %get3A_296 : vector<16xf32> to vector<1x16xf32>
        tpu.vector_store %swap3A_300[%swap3A_301, %swap3A_302], %swap3A_305 {strides = array<i32>} : memref<64x300xf32, #tpu.memory_space<vmem>>, vector<1x16xf32>,
        %get3A_306 = arith.constant 0 : i32
        %get3A_307 = arith.constant 0 : i32
        %get3A_308 = tpu.memref_slice %arg6[%scan3A_114, %get3A_306, %get3A_307] : memref<2x64x384xf32, #tpu.memory_space<vmem>> -> memref<1x64x384xf32, #tpu.memory_space<vmem>>
        %get3A_309 = tpu.memref_squeeze %get3A_308 : memref<1x64x384xf32, #tpu.memory_space<vmem>> -> memref<64x384xf32, #tpu.memory_space<vmem>>
        %get3A_310 = arith.index_cast %scan3A_137 : i32 to index
        %get3A_311 = arith.constant 160 : index
        %get3A_312 = tpu.vector_load %get3A_309[%get3A_310, %get3A_311] {strides = array<i32>} : memref<64x384xf32, #tpu.memory_space<vmem>>, vector<1x16xf32>,
        %get3A_313 = vector.shape_cast %get3A_312 : vector<1x16xf32> to vector<16xf32>
        %swap3A_314 = arith.constant 0 : i32
        %swap3A_315 = arith.constant 0 : i32
        %swap3A_316 = tpu.memref_slice %arg7[%scan3A_115, %swap3A_314, %swap3A_315] : memref<2x64x300xf32, #tpu.memory_space<vmem>> -> memref<1x64x300xf32, #tpu.memory_space<vmem>>
        %swap3A_317 = tpu.memref_squeeze %swap3A_316 : memref<1x64x300xf32, #tpu.memory_space<vmem>> -> memref<64x300xf32, #tpu.memory_space<vmem>>
        %swap3A_318 = arith.index_cast %scan3A_137 : i32 to index
        %swap3A_319 = arith.constant 160 : index
        %swap3A_320 = tpu.vector_load %swap3A_317[%swap3A_318, %swap3A_319] {strides = array<i32>} : memref<64x300xf32, #tpu.memory_space<vmem>>, vector<1x16xf32>,
        %swap3A_321 = vector.shape_cast %swap3A_320 : vector<1x16xf32> to vector<16xf32>
        %swap3A_322 = vector.shape_cast %get3A_313 : vector<16xf32> to vector<1x16xf32>
        tpu.vector_store %swap3A_317[%swap3A_318, %swap3A_319], %swap3A_322 {strides = array<i32>} : memref<64x300xf32, #tpu.memory_space<vmem>>, vector<1x16xf32>,
        %get3A_323 = arith.constant 0 : i32
        %get3A_324 = arith.constant 0 : i32
        %get3A_325 = tpu.memref_slice %arg6[%scan3A_114, %get3A_323, %get3A_324] : memref<2x64x384xf32, #tpu.memory_space<vmem>> -> memref<1x64x384xf32, #tpu.memory_space<vmem>>
        %get3A_326 = tpu.memref_squeeze %get3A_325 : memref<1x64x384xf32, #tpu.memory_space<vmem>> -> memref<64x384xf32, #tpu.memory_space<vmem>>
        %get3A_327 = arith.index_cast %scan3A_137 : i32 to index
        %get3A_328 = arith.constant 176 : index
        %get3A_329 = tpu.vector_load %get3A_326[%get3A_327, %get3A_328] {strides = array<i32>} : memref<64x384xf32, #tpu.memory_space<vmem>>, vector<1x16xf32>,
        %get3A_330 = vector.shape_cast %get3A_329 : vector<1x16xf32> to vector<16xf32>
        %swap3A_331 = arith.constant 0 : i32
        %swap3A_332 = arith.constant 0 : i32
        %swap3A_333 = tpu.memref_slice %arg7[%scan3A_115, %swap3A_331, %swap3A_332] : memref<2x64x300xf32, #tpu.memory_space<vmem>> -> memref<1x64x300xf32, #tpu.memory_space<vmem>>
        %swap3A_334 = tpu.memref_squeeze %swap3A_333 : memref<1x64x300xf32, #tpu.memory_space<vmem>> -> memref<64x300xf32, #tpu.memory_space<vmem>>
        %swap3A_335 = arith.index_cast %scan3A_137 : i32 to index
        %swap3A_336 = arith.constant 176 : index
        %swap3A_337 = tpu.vector_load %swap3A_334[%swap3A_335, %swap3A_336] {strides = array<i32>} : memref<64x300xf32, #tpu.memory_space<vmem>>, vector<1x16xf32>,
        %swap3A_338 = vector.shape_cast %swap3A_337 : vector<1x16xf32> to vector<16xf32>
        %swap3A_339 = vector.shape_cast %get3A_330 : vector<16xf32> to vector<1x16xf32>
        tpu.vector_store %swap3A_334[%swap3A_335, %swap3A_336], %swap3A_339 {strides = array<i32>} : memref<64x300xf32, #tpu.memory_space<vmem>>, vector<1x16xf32>,
        %get3A_340 = arith.constant 0 : i32
        %get3A_341 = arith.constant 0 : i32
        %get3A_342 = tpu.memref_slice %arg6[%scan3A_114, %get3A_340, %get3A_341] : memref<2x64x384xf32, #tpu.memory_space<vmem>> -> memref<1x64x384xf32, #tpu.memory_space<vmem>>
        %get3A_343 = tpu.memref_squeeze %get3A_342 : memref<1x64x384xf32, #tpu.memory_space<vmem>> -> memref<64x384xf32, #tpu.memory_space<vmem>>
        %get3A_344 = arith.index_cast %scan3A_137 : i32 to index
        %get3A_345 = arith.constant 192 : index
        %get3A_346 = tpu.vector_load %get3A_343[%get3A_344, %get3A_345] {strides = array<i32>} : memref<64x384xf32, #tpu.memory_space<vmem>>, vector<1x16xf32>,
        %get3A_347 = vector.shape_cast %get3A_346 : vector<1x16xf32> to vector<16xf32>
        %swap3A_348 = arith.constant 0 : i32
        %swap3A_349 = arith.constant 0 : i32
        %swap3A_350 = tpu.memref_slice %arg7[%scan3A_115, %swap3A_348, %swap3A_349] : memref<2x64x300xf32, #tpu.memory_space<vmem>> -> memref<1x64x300xf32, #tpu.memory_space<vmem>>
        %swap3A_351 = tpu.memref_squeeze %swap3A_350 : memref<1x64x300xf32, #tpu.memory_space<vmem>> -> memref<64x300xf32, #tpu.memory_space<vmem>>
        %swap3A_352 = arith.index_cast %scan3A_137 : i32 to index
        %swap3A_353 = arith.constant 192 : index
        %swap3A_354 = tpu.vector_load %swap3A_351[%swap3A_352, %swap3A_353] {strides = array<i32>} : memref<64x300xf32, #tpu.memory_space<vmem>>, vector<1x16xf32>,
        %swap3A_355 = vector.shape_cast %swap3A_354 : vector<1x16xf32> to vector<16xf32>
        %swap3A_356 = vector.shape_cast %get3A_347 : vector<16xf32> to vector<1x16xf32>
        tpu.vector_store %swap3A_351[%swap3A_352, %swap3A_353], %swap3A_356 {strides = array<i32>} : memref<64x300xf32, #tpu.memory_space<vmem>>, vector<1x16xf32>,
        %get3A_357 = arith.constant 0 : i32
        %get3A_358 = arith.constant 0 : i32
        %get3A_359 = tpu.memref_slice %arg6[%scan3A_114, %get3A_357, %get3A_358] : memref<2x64x384xf32, #tpu.memory_space<vmem>> -> memref<1x64x384xf32, #tpu.memory_space<vmem>>
        %get3A_360 = tpu.memref_squeeze %get3A_359 : memref<1x64x384xf32, #tpu.memory_space<vmem>> -> memref<64x384xf32, #tpu.memory_space<vmem>>
        %get3A_361 = arith.index_cast %scan3A_137 : i32 to index
        %get3A_362 = arith.constant 208 : index
        %get3A_363 = tpu.vector_load %get3A_360[%get3A_361, %get3A_362] {strides = array<i32>} : memref<64x384xf32, #tpu.memory_space<vmem>>, vector<1x16xf32>,
        %get3A_364 = vector.shape_cast %get3A_363 : vector<1x16xf32> to vector<16xf32>
        %swap3A_365 = arith.constant 0 : i32
        %swap3A_366 = arith.constant 0 : i32
        %swap3A_367 = tpu.memref_slice %arg7[%scan3A_115, %swap3A_365, %swap3A_366] : memref<2x64x300xf32, #tpu.memory_space<vmem>> -> memref<1x64x300xf32, #tpu.memory_space<vmem>>
        %swap3A_368 = tpu.memref_squeeze %swap3A_367 : memref<1x64x300xf32, #tpu.memory_space<vmem>> -> memref<64x300xf32, #tpu.memory_space<vmem>>
        %swap3A_369 = arith.index_cast %scan3A_137 : i32 to index
        %swap3A_370 = arith.constant 208 : index
        %swap3A_371 = tpu.vector_load %swap3A_368[%swap3A_369, %swap3A_370] {strides = array<i32>} : memref<64x300xf32, #tpu.memory_space<vmem>>, vector<1x16xf32>,
        %swap3A_372 = vector.shape_cast %swap3A_371 : vector<1x16xf32> to vector<16xf32>
        %swap3A_373 = vector.shape_cast %get3A_364 : vector<16xf32> to vector<1x16xf32>
        tpu.vector_store %swap3A_368[%swap3A_369, %swap3A_370], %swap3A_373 {strides = array<i32>} : memref<64x300xf32, #tpu.memory_space<vmem>>, vector<1x16xf32>,
        %get3A_374 = arith.constant 0 : i32
        %get3A_375 = arith.constant 0 : i32
        %get3A_376 = tpu.memref_slice %arg6[%scan3A_114, %get3A_374, %get3A_375] : memref<2x64x384xf32, #tpu.memory_space<vmem>> -> memref<1x64x384xf32, #tpu.memory_space<vmem>>
        %get3A_377 = tpu.memref_squeeze %get3A_376 : memref<1x64x384xf32, #tpu.memory_space<vmem>> -> memref<64x384xf32, #tpu.memory_space<vmem>>
        %get3A_378 = arith.index_cast %scan3A_137 : i32 to index
        %get3A_379 = arith.constant 224 : index
        %get3A_380 = tpu.vector_load %get3A_377[%get3A_378, %get3A_379] {strides = array<i32>} : memref<64x384xf32, #tpu.memory_space<vmem>>, vector<1x16xf32>,
        %get3A_381 = vector.shape_cast %get3A_380 : vector<1x16xf32> to vector<16xf32>
        %swap3A_382 = arith.constant 0 : i32
        %swap3A_383 = arith.constant 0 : i32
        %swap3A_384 = tpu.memref_slice %arg7[%scan3A_115, %swap3A_382, %swap3A_383] : memref<2x64x300xf32, #tpu.memory_space<vmem>> -> memref<1x64x300xf32, #tpu.memory_space<vmem>>
        %swap3A_385 = tpu.memref_squeeze %swap3A_384 : memref<1x64x300xf32, #tpu.memory_space<vmem>> -> memref<64x300xf32, #tpu.memory_space<vmem>>
        %swap3A_386 = arith.index_cast %scan3A_137 : i32 to index
        %swap3A_387 = arith.constant 224 : index
        %swap3A_388 = tpu.vector_load %swap3A_385[%swap3A_386, %swap3A_387] {strides = array<i32>} : memref<64x300xf32, #tpu.memory_space<vmem>>, vector<1x16xf32>,
        %swap3A_389 = vector.shape_cast %swap3A_388 : vector<1x16xf32> to vector<16xf32>
        %swap3A_390 = vector.shape_cast %get3A_381 : vector<16xf32> to vector<1x16xf32>
        tpu.vector_store %swap3A_385[%swap3A_386, %swap3A_387], %swap3A_390 {strides = array<i32>} : memref<64x300xf32, #tpu.memory_space<vmem>>, vector<1x16xf32>,
        %get3A_391 = arith.constant 0 : i32
        %get3A_392 = arith.constant 0 : i32
        %get3A_393 = tpu.memref_slice %arg6[%scan3A_114, %get3A_391, %get3A_392] : memref<2x64x384xf32, #tpu.memory_space<vmem>> -> memref<1x64x384xf32, #tpu.memory_space<vmem>>
        %get3A_394 = tpu.memref_squeeze %get3A_393 : memref<1x64x384xf32, #tpu.memory_space<vmem>> -> memref<64x384xf32, #tpu.memory_space<vmem>>
        %get3A_395 = arith.index_cast %scan3A_137 : i32 to index
        %get3A_396 = arith.constant 240 : index
        %get3A_397 = tpu.vector_load %get3A_394[%get3A_395, %get3A_396] {strides = array<i32>} : memref<64x384xf32, #tpu.memory_space<vmem>>, vector<1x16xf32>,
        %get3A_398 = vector.shape_cast %get3A_397 : vector<1x16xf32> to vector<16xf32>
        %swap3A_399 = arith.constant 0 : i32
        %swap3A_400 = arith.constant 0 : i32
        %swap3A_401 = tpu.memref_slice %arg7[%scan3A_115, %swap3A_399, %swap3A_400] : memref<2x64x300xf32, #tpu.memory_space<vmem>> -> memref<1x64x300xf32, #tpu.memory_space<vmem>>
        %swap3A_402 = tpu.memref_squeeze %swap3A_401 : memref<1x64x300xf32, #tpu.memory_space<vmem>> -> memref<64x300xf32, #tpu.memory_space<vmem>>
        %swap3A_403 = arith.index_cast %scan3A_137 : i32 to index
        %swap3A_404 = arith.constant 240 : index
        %swap3A_405 = tpu.vector_load %swap3A_402[%swap3A_403, %swap3A_404] {strides = array<i32>} : memref<64x300xf32, #tpu.memory_space<vmem>>, vector<1x16xf32>,
        %swap3A_406 = vector.shape_cast %swap3A_405 : vector<1x16xf32> to vector<16xf32>
        %swap3A_407 = vector.shape_cast %get3A_398 : vector<16xf32> to vector<1x16xf32>
        tpu.vector_store %swap3A_402[%swap3A_403, %swap3A_404], %swap3A_407 {strides = array<i32>} : memref<64x300xf32, #tpu.memory_space<vmem>>, vector<1x16xf32>,
        %get3A_408 = arith.constant 0 : i32
        %get3A_409 = arith.constant 0 : i32
        %get3A_410 = tpu.memref_slice %arg6[%scan3A_114, %get3A_408, %get3A_409] : memref<2x64x384xf32, #tpu.memory_space<vmem>> -> memref<1x64x384xf32, #tpu.memory_space<vmem>>
        %get3A_411 = tpu.memref_squeeze %get3A_410 : memref<1x64x384xf32, #tpu.memory_space<vmem>> -> memref<64x384xf32, #tpu.memory_space<vmem>>
        %get3A_412 = arith.index_cast %scan3A_137 : i32 to index
        %get3A_413 = arith.constant 256 : index
        %get3A_414 = tpu.vector_load %get3A_411[%get3A_412, %get3A_413] {strides = array<i32>} : memref<64x384xf32, #tpu.memory_space<vmem>>, vector<1x16xf32>,
        %get3A_415 = vector.shape_cast %get3A_414 : vector<1x16xf32> to vector<16xf32>
        %swap3A_416 = arith.constant 0 : i32
        %swap3A_417 = arith.constant 0 : i32
        %swap3A_418 = tpu.memref_slice %arg7[%scan3A_115, %swap3A_416, %swap3A_417] : memref<2x64x300xf32, #tpu.memory_space<vmem>> -> memref<1x64x300xf32, #tpu.memory_space<vmem>>
        %swap3A_419 = tpu.memref_squeeze %swap3A_418 : memref<1x64x300xf32, #tpu.memory_space<vmem>> -> memref<64x300xf32, #tpu.memory_space<vmem>>
        %swap3A_420 = arith.index_cast %scan3A_137 : i32 to index
        %swap3A_421 = arith.constant 256 : index
        %swap3A_422 = tpu.vector_load %swap3A_419[%swap3A_420, %swap3A_421] {strides = array<i32>} : memref<64x300xf32, #tpu.memory_space<vmem>>, vector<1x16xf32>,
        %swap3A_423 = vector.shape_cast %swap3A_422 : vector<1x16xf32> to vector<16xf32>
        %swap3A_424 = vector.shape_cast %get3A_415 : vector<16xf32> to vector<1x16xf32>
        tpu.vector_store %swap3A_419[%swap3A_420, %swap3A_421], %swap3A_424 {strides = array<i32>} : memref<64x300xf32, #tpu.memory_space<vmem>>, vector<1x16xf32>,
        %get3A_425 = arith.constant 0 : i32
        %get3A_426 = arith.constant 0 : i32
        %get3A_427 = tpu.memref_slice %arg6[%scan3A_114, %get3A_425, %get3A_426] : memref<2x64x384xf32, #tpu.memory_space<vmem>> -> memref<1x64x384xf32, #tpu.memory_space<vmem>>
        %get3A_428 = tpu.memref_squeeze %get3A_427 : memref<1x64x384xf32, #tpu.memory_space<vmem>> -> memref<64x384xf32, #tpu.memory_space<vmem>>
        %get3A_429 = arith.index_cast %scan3A_137 : i32 to index
        %get3A_430 = arith.constant 272 : index
        %get3A_431 = tpu.vector_load %get3A_428[%get3A_429, %get3A_430] {strides = array<i32>} : memref<64x384xf32, #tpu.memory_space<vmem>>, vector<1x16xf32>,
        %get3A_432 = vector.shape_cast %get3A_431 : vector<1x16xf32> to vector<16xf32>
        %swap3A_433 = arith.constant 0 : i32
        %swap3A_434 = arith.constant 0 : i32
        %swap3A_435 = tpu.memref_slice %arg7[%scan3A_115, %swap3A_433, %swap3A_434] : memref<2x64x300xf32, #tpu.memory_space<vmem>> -> memref<1x64x300xf32, #tpu.memory_space<vmem>>
        %swap3A_436 = tpu.memref_squeeze %swap3A_435 : memref<1x64x300xf32, #tpu.memory_space<vmem>> -> memref<64x300xf32, #tpu.memory_space<vmem>>
        %swap3A_437 = arith.index_cast %scan3A_137 : i32 to index
        %swap3A_438 = arith.constant 272 : index
        %swap3A_439 = tpu.vector_load %swap3A_436[%swap3A_437, %swap3A_438] {strides = array<i32>} : memref<64x300xf32, #tpu.memory_space<vmem>>, vector<1x16xf32>,
        %swap3A_440 = vector.shape_cast %swap3A_439 : vector<1x16xf32> to vector<16xf32>
        %swap3A_441 = vector.shape_cast %get3A_432 : vector<16xf32> to vector<1x16xf32>
        tpu.vector_store %swap3A_436[%swap3A_437, %swap3A_438], %swap3A_441 {strides = array<i32>} : memref<64x300xf32, #tpu.memory_space<vmem>>, vector<1x16xf32>,
        %get3A_442 = arith.constant 0 : i32
        %get3A_443 = arith.constant 0 : i32
        %get3A_444 = tpu.memref_slice %arg6[%scan3A_114, %get3A_442, %get3A_443] : memref<2x64x384xf32, #tpu.memory_space<vmem>> -> memref<1x64x384xf32, #tpu.memory_space<vmem>>
        %get3A_445 = tpu.memref_squeeze %get3A_444 : memref<1x64x384xf32, #tpu.memory_space<vmem>> -> memref<64x384xf32, #tpu.memory_space<vmem>>
        %get3A_446 = arith.index_cast %scan3A_137 : i32 to index
        %get3A_447 = arith.constant 284 : index
        %get3A_448 = tpu.vector_load %get3A_445[%get3A_446, %get3A_447] {strides = array<i32>} : memref<64x384xf32, #tpu.memory_space<vmem>>, vector<1x16xf32>,
        %get3A_449 = vector.shape_cast %get3A_448 : vector<1x16xf32> to vector<16xf32>
        %swap3A_450 = arith.constant 0 : i32
        %swap3A_451 = arith.constant 0 : i32
        %swap3A_452 = tpu.memref_slice %arg7[%scan3A_115, %swap3A_450, %swap3A_451] : memref<2x64x300xf32, #tpu.memory_space<vmem>> -> memref<1x64x300xf32, #tpu.memory_space<vmem>>
        %swap3A_453 = tpu.memref_squeeze %swap3A_452 : memref<1x64x300xf32, #tpu.memory_space<vmem>> -> memref<64x300xf32, #tpu.memory_space<vmem>>
        %swap3A_454 = arith.index_cast %scan3A_137 : i32 to index
        %swap3A_455 = arith.constant 284 : index
        %swap3A_456 = tpu.vector_load %swap3A_453[%swap3A_454, %swap3A_455] {strides = array<i32>} : memref<64x300xf32, #tpu.memory_space<vmem>>, vector<1x16xf32>,
        %swap3A_457 = vector.shape_cast %swap3A_456 : vector<1x16xf32> to vector<16xf32>
        %swap3A_458 = vector.shape_cast %get3A_449 : vector<16xf32> to vector<1x16xf32>
        tpu.vector_store %swap3A_453[%swap3A_454, %swap3A_455], %swap3A_458 {strides = array<i32>} : memref<64x300xf32, #tpu.memory_space<vmem>>, vector<1x16xf32>,
      }
      %scan3A_120 = arith.constant 64 : i32
      %mul3A_121 = arith.constant 64 : i32
      %mul3A_122 = arith.muli %add3A_90, %mul3A_121 : i32
      %add3A_123 = arith.addi %mul3A_2, %mul3A_122 : i32
      %dma_start3A_124 = arith.constant 1 : i32
      %dma_start3A_125 = arith.constant 0 : i32
      %dma_start3A_126 = arith.constant 0 : i32
      %dma_start3A_127 = tpu.memref_slice %arg7[%dma_start3A_124, %dma_start3A_125, %dma_start3A_126] : memref<2x64x300xf32, #tpu.memory_space<vmem>> -> memref<1x64x300xf32, #tpu.memory_space<vmem>>
      %dma_start3A_128 = tpu.memref_squeeze %dma_start3A_127 : memref<1x64x300xf32, #tpu.memory_space<vmem>> -> memref<64x300xf32, #tpu.memory_space<vmem>>
      %dma_start3A_129 = arith.constant 0 : i32
      %dma_start3A_130 = tpu.memref_slice %arg4[%add3A_123, %dma_start3A_129] : memref<819200x300xf32, #tpu.memory_space<hbm>> -> memref<64x300xf32, #tpu.memory_space<hbm>>
      %dma_start3A_131 = arith.constant 0 : i32
      %dma_start3A_132 = tpu.memref_slice %arg4[%add3A_123, %dma_start3A_131] : memref<819200x300xf32, #tpu.memory_space<hbm>> -> memref<64x300xf32, #tpu.memory_space<hbm>>
      %dma_start3A_133 = arith.constant 0 : i32
      %dma_start3A_134 = arith.constant 0 : i32
      %dma_start3A_135 = tpu.memref_slice %arg7[%dma_start3A_124, %dma_start3A_133, %dma_start3A_134] : memref<2x64x300xf32, #tpu.memory_space<vmem>> -> memref<1x64x300xf32, #tpu.memory_space<vmem>>
      %dma_start3A_136 = tpu.memref_squeeze %dma_start3A_135 : memref<1x64x300xf32, #tpu.memory_space<vmem>> -> memref<64x300xf32, #tpu.memory_space<vmem>>
      tpu.enqueue_dma source(%dma_start3A_136 : memref<64x300xf32, #tpu.memory_space<vmem>>) target(%dma_start3A_132 : memref<64x300xf32, #tpu.memory_space<hbm>>) target_semaphore(%arg11 : memref<!tpu.dma_semaphore, #tpu.memory_space<semaphore_mem>>)
    }
    %scan3A_16 = arith.constant 200 : i32
    %dma_wait3A = arith.constant 0 : i32
    %dma_wait3A_17 = arith.constant 0 : i32
    %dma_wait3A_18 = arith.constant 0 : i32
    %dma_wait3A_19 = tpu.memref_slice %arg7[%dma_wait3A, %dma_wait3A_17, %dma_wait3A_18] : memref<2x64x300xf32, #tpu.memory_space<vmem>> -> memref<1x64x300xf32, #tpu.memory_space<vmem>>
    %dma_wait3A_20 = tpu.memref_squeeze %dma_wait3A_19 : memref<1x64x300xf32, #tpu.memory_space<vmem>> -> memref<64x300xf32, #tpu.memory_space<vmem>>
    %dma_wait3A_21 = arith.constant 0 : i32
    %dma_wait3A_22 = tpu.memref_slice %arg4[%mul3A_2, %dma_wait3A_21] : memref<819200x300xf32, #tpu.memory_space<hbm>> -> memref<64x300xf32, #tpu.memory_space<hbm>>
    %dma_wait3A_23 = arith.constant 0 : i32
    %dma_wait3A_24 = tpu.memref_slice %arg4[%mul3A_2, %dma_wait3A_23] : memref<819200x300xf32, #tpu.memory_space<hbm>> -> memref<64x300xf32, #tpu.memory_space<hbm>>
    %dma_wait3A_25 = arith.constant 0 : i32
    %dma_wait3A_26 = arith.constant 0 : i32
    %dma_wait3A_27 = tpu.memref_slice %arg7[%dma_wait3A, %dma_wait3A_25, %dma_wait3A_26] : memref<2x64x300xf32, #tpu.memory_space<vmem>> -> memref<1x64x300xf32, #tpu.memory_space<vmem>>
    %dma_wait3A_28 = tpu.memref_squeeze %dma_wait3A_27 : memref<1x64x300xf32, #tpu.memory_space<vmem>> -> memref<64x300xf32, #tpu.memory_space<vmem>>
    tpu.wait_dma2 semaphore(%arg10 : memref<!tpu.dma_semaphore, #tpu.memory_space<semaphore_mem>>) src(%dma_wait3A_28 : memref<64x300xf32, #tpu.memory_space<vmem>>) dst(%dma_wait3A_24 : memref<64x300xf32, #tpu.memory_space<hbm>>)
    %dma_wait3A_29 = arith.constant 1 : i32
    %dma_wait3A_30 = arith.constant 0 : i32
    %dma_wait3A_31 = arith.constant 0 : i32
    %dma_wait3A_32 = tpu.memref_slice %arg7[%dma_wait3A_29, %dma_wait3A_30, %dma_wait3A_31] : memref<2x64x300xf32, #tpu.memory_space<vmem>> -> memref<1x64x300xf32, #tpu.memory_space<vmem>>
    %dma_wait3A_33 = tpu.memref_squeeze %dma_wait3A_32 : memref<1x64x300xf32, #tpu.memory_space<vmem>> -> memref<64x300xf32, #tpu.memory_space<vmem>>
    %dma_wait3A_34 = arith.constant 0 : i32
    %dma_wait3A_35 = tpu.memref_slice %arg4[%mul3A_2, %dma_wait3A_34] : memref<819200x300xf32, #tpu.memory_space<hbm>> -> memref<64x300xf32, #tpu.memory_space<hbm>>
    %dma_wait3A_36 = arith.constant 0 : i32
    %dma_wait3A_37 = tpu.memref_slice %arg4[%mul3A_2, %dma_wait3A_36] : memref<819200x300xf32, #tpu.memory_space<hbm>> -> memref<64x300xf32, #tpu.memory_space<hbm>>
    %dma_wait3A_38 = arith.constant 0 : i32
    %dma_wait3A_39 = arith.constant 0 : i32
    %dma_wait3A_40 = tpu.memref_slice %arg7[%dma_wait3A_29, %dma_wait3A_38, %dma_wait3A_39] : memref<2x64x300xf32, #tpu.memory_space<vmem>> -> memref<1x64x300xf32, #tpu.memory_space<vmem>>
    %dma_wait3A_41 = tpu.memref_squeeze %dma_wait3A_40 : memref<1x64x300xf32, #tpu.memory_space<vmem>> -> memref<64x300xf32, #tpu.memory_space<vmem>>
    tpu.wait_dma2 semaphore(%arg11 : memref<!tpu.dma_semaphore, #tpu.memory_space<semaphore_mem>>) src(%dma_wait3A_41 : memref<64x300xf32, #tpu.memory_space<vmem>>) dst(%dma_wait3A_37 : memref<64x300xf32, #tpu.memory_space<hbm>>)
    return
  }
}

</mosaic_0001>

<sc_bundles>
// kernel: kernel.3.cloned.1.call-start
scs
__scs_entry_jumppad:
0x0: {  	(pc) =	sbr.rel $0x88, $3  }
0x1: {  	(tag) =	ssettag $0x0;
	lr =	simm.s32 $0x1  }
0x2: {  	[smem:$0x3F9F] =	sst lr;
	_ =	strace $0xD0000000  }
0x3: {  	_ = 	snop  }
0x4: {  	_ = 	snop  }
0x5: {  	_ = 	snop  }
0x6: {  	_ = 	snop  }
0x7: {  	_ = 	snop  }
__scs_overlays_trampoline_lowered:
0x8: {  	[smem:$0x3FAE] =	sst s0  }
0x9: {  	[smem:$0x3FAF] =	sst s1  }
0xa: {  	[smem:$0x3FB0] =	sst s2  }
0xb: {  	[smem:$0x3FB1] =	sst s3  }
0xc: {  	[smem:$0x3FB2] =	sst s4  }
0xd: {  	[smem:$0x3FB3] =	sst s5  }
0xe: {  	[smem:$0x3FB4] =	sst s6  }
0xf: {  	[smem:$0x3FB5] =	sst s7  }
0x10: {  	[smem:$0x3FB6] =	sst s8  }
0x11: {  	[smem:$0x3FB7] =	sst s9;
	s0 =	simm.s32 @!p0 $0x0  }
0x12: {  	s1 =	sld [smem:$0x3F9D];
	s0 =	simm.s32 @p0 $0x1  }
0x13: {  	[smem:$0x3FB8] =	sst s0;
	s0 =	simm.s32 @!p1 $0x0  }
0x14: {  	s2 =	sld [smem:$0x3F9C];
	s0 =	simm.s32 @p1 $0x1  }
0x15: {  	[smem:$0x3FB9] =	sst s0;
	s0 =	simm.s32 @!p2 $0x0  }
0x16: {  	s3 =	sld [smem:$0x3FDB];
	s0 =	simm.s32 @p2 $0x1  }
0x17: {  	s4 =	simm.s32 $0x1BF5;
	[smem:$0x3FBB] =	sst s0  }
0x18: {  	s0 =	sld [smem:$0x3F9E];
	_ =	swait.ge [sflag:s4], $0x0  }
0x19: {  	s7 =	sld [smem:$0x3F9F]  }
0x1a: {  	s8 =	sadd.s32 $0xFFFFE003, lr  }
0x1b: {  	s9 =	sadd.s32 $0xFFFFFEF7, lr;
	s5 =	simm.s32 $0xFFFFFFFF;
	p2 =	slt.u32 s8, $0xFFFFF086  }
0x1c: {  	p1 =	slt.u32 s9, $0xF7A;
	s5 =	simm.s32 @!p2 $0x0  }
0x1d: {  	s5 =	simm.s32 @p1 $0x1;
	p0 =	seq.s32 s7, s2  }
0x1e: {  	s7 =	smul.u32 @!p0 $0xF7A, s2;
	p2 =	seq.s32 @!p0 s5, $0x0  }
0x1f: {  	s9 =	smul.u32 $0xF7A, s1;
	s8 =	simm.s32 @!p0 $0x1BF5;
	p2 =	por !p2, p0  }
0x20: {  	[sflag:s8] =	ssyncset.s32 @!p0 $0xFFFFF086;
	s6 =	sadd.s32 @!p0 s3, s7;
	s7 =	simm.s32 @!p0 $0x108  }
0x21: {  	s3 =	sadd.s32 s3, s9;
	s6 =	sadd.s32 @!p0 $0x88, s6;
	s7 =	simm.s32 @p2 $0x1082  }
0x22: {  	[simem:s7], [sflag:s8] =	dma.local @!p0 [hbm:s6], $0xF7A  }
0x23: {  	s9 =	sor.u32 $0xD0000000, s2;
	s6 =	simm.s32 $0x108;
	_ =	swait.ge @!p0 [sflag:s8], $0x0  }
0x24: {  	s3 =	sadd.s32 $0x88, s3;
	s6 =	simm.s32 @!p1 $0x1082;
	[sflag:s4] =	ssyncset.s32 $0xFFFFF086  }
0x25: {  	[simem:s6], [sflag:s4] =	dma.local [hbm:s3], $0xF7A  }
0x26: {  	[smem:$0x3F9F] =	sst s1;
	(tag) =	ssettag s2;
	_ =	strace s9  }
0x27: {  	s1 =	sld [smem:$0x3FAF]  }
0x28: {  	s2 =	sld [smem:$0x3FB0]  }
0x29: {  	s4 =	sld [smem:$0x3FB2]  }
0x2a: {  	p0 =	seq.s32 s5, $0x0;
	s5 =	sld [smem:$0x3FB3]  }
0x2b: {  	s6 =	sld [smem:$0x3FB4]  }
0x2c: {  	s7 =	sld [smem:$0x3FB5]  }
0x2d: {  	s3 =	simm.s32 $0x108;
	s8 =	sld [smem:$0x3FB6]  }
0x2e: {  	s3 =	simm.s32 @!p0 $0x1082;
	s9 =	sld [smem:$0x3FB7]  }
0x2f: {  	lr =	sadd.s32 s0, s3;
	s0 =	sld [smem:$0x3FAE]  }
0x30: {  	s3 =	sld [smem:$0x3FB1]  }
0x31: {  	[smem:$0x3FBA] =	sst s10  }
0x32: {  	s10 =	sld [smem:$0x3FB8];
	_ =	sdelay $0x3  }
0x33: {  	p0 =	seq.s32 s10, $0x1;
	s10 =	sld [smem:$0x3FBA];
	_ =	sdelay $0x3  }
0x34: {  	[smem:$0x3FBA] =	sst s10  }
0x35: {  	s10 =	sld [smem:$0x3FB9];
	_ =	sdelay $0x3  }
0x36: {  	p1 =	seq.s32 s10, $0x1;
	s10 =	sld [smem:$0x3FBA];
	_ =	sdelay $0x3  }
0x37: {  	[smem:$0x3FBA] =	sst s10  }
0x38: {  	s10 =	sld [smem:$0x3FBB]  }
0x39: {  	_ = 	snop;
	(pc) =	sbr.ind lr, $3  }
0x3a: {  	_ = 	snop  }
0x3b: {  	_ = 	snop  }
0x3c: {  	p2 =	seq.s32 s10, $0x1;
	s10 =	sld [smem:$0x3FBA]  }
0x3d: {  	_ =	shalt  }
0x3e: {  	_ =	shalt  }
0x3f: {  	_ =	shalt  }
0x40: {  	_ =	shalt  }
0x41: {  	_ =	shalt  }
0x42: {  	_ =	shalt  }
0x43: {  	_ =	shalt  }
0x44: {  	_ =	shalt  }
0x45: {  	_ =	shalt  }
0x46: {  	_ =	shalt  }
0x47: {  	_ =	shalt  }
0x48: {  	_ =	shalt  }
0x49: {  	_ =	shalt  }
0x4a: {  	_ =	shalt  }
0x4b: {  	_ =	shalt  }
0x4c: {  	_ =	shalt  }
0x4d: {  	_ =	shalt  }
0x4e: {  	_ =	shalt  }
0x4f: {  	_ =	shalt  }
0x50: {  	_ =	shalt  }
0x51: {  	_ =	shalt  }
0x52: {  	_ =	shalt  }
0x53: {  	_ =	shalt  }
0x54: {  	_ =	shalt  }
0x55: {  	_ =	shalt  }
0x56: {  	_ =	shalt  }
0x57: {  	_ =	shalt  }
0x58: {  	_ =	shalt  }
0x59: {  	_ =	shalt  }
0x5a: {  	_ =	shalt  }
0x5b: {  	_ =	shalt  }
0x5c: {  	_ =	shalt  }
0x5d: {  	_ =	shalt  }
0x5e: {  	_ =	shalt  }
0x5f: {  	_ =	shalt  }
0x60: {  	_ =	shalt  }
0x61: {  	_ =	shalt  }
0x62: {  	_ =	shalt  }
0x63: {  	_ =	shalt  }
0x64: {  	_ =	shalt  }
0x65: {  	_ =	shalt  }
0x66: {  	_ =	shalt  }
0x67: {  	_ =	shalt  }
0x68: {  	_ =	shalt  }
0x69: {  	_ =	shalt  }
0x6a: {  	_ =	shalt  }
0x6b: {  	_ =	shalt  }
0x6c: {  	_ =	shalt  }
0x6d: {  	_ =	shalt  }
0x6e: {  	_ =	shalt  }
0x6f: {  	_ =	shalt  }
0x70: {  	_ =	shalt  }
0x71: {  	_ =	shalt  }
0x72: {  	_ =	shalt  }
0x73: {  	_ =	shalt  }
0x74: {  	_ =	shalt  }
0x75: {  	_ =	shalt  }
0x76: {  	_ =	shalt  }
0x77: {  	_ =	shalt  }
0x78: {  	_ =	shalt  }
0x79: {  	_ =	shalt  }
0x7a: {  	_ =	shalt  }
0x7b: {  	_ =	shalt  }
0x7c: {  	_ =	shalt  }
0x7d: {  	_ =	shalt  }
0x7e: {  	_ =	shalt  }
0x7f: {  	_ =	shalt  }
0x80: {  	_ =	shalt  }
0x81: {  	_ =	shalt  }
0x82: {  	_ =	shalt  }
0x83: {  	_ =	shalt  }
0x84: {  	_ =	shalt  }
0x85: {  	_ =	shalt  }
0x86: {  	_ =	shalt  }
0x87: {  	_ =	shalt  }
.Lfunc_end0:
.L_simem_size_0:
called_computation.1_lowered:
.L_overlay_start_0:
0x88: {  	s2 =	sld [smem:$0x3FD9]  }
0x89: {  	s3 =	sld [smem:$0x3FFE];
	_ =	sdelay $0x1  }
0x8a: {  	s1 =	srdreg.scid  }
0x8b: {  	s0 =	sand.u32 $0x1, s1  }
0x8c: {  	s16 =	sshll.u32 s0, $0xA;
	s2 =	sadd.s32 s3, s2  }
0x8d: {  	s2 =	sadd.s32 s2, s16  }
0x8e: {  	[smem:$0x3FC6] =	sst s2  }
0x8f: {  	_ = 	snop  }
0x90: {  	(tm) =	ssettm $0x1  }
0x91: {  	s17 =	sld [smem:$0x3FFB];
	_ =	sdelay $0x3  }
0x92: {  	_ =	strace s17  }
0x93: {  	s2 =	sld [smem:$0x3FFC];
	_ =	sdelay $0x3  }
0x94: {  	_ =	strace s2  }
0x95: {  	s2 =	sld [smem:$0x3FFD];
	_ =	sdelay $0x3  }
0x96: {  	_ =	strace s2  }
0x97: {  	_ =	strace $0x8FFFFFFF  }
0x98: {  	s18 =	sld [smem:$0x3FDB];
	_ =	sdelay $0x1  }
0x99: {  	s19 =	simm.s32 $_scs_section_size  }
0x9a: {  	s4 =	simm.s32 $_size__tile_overlayer_lowered;
	s5 =	simm.s32 $_tile_overlayer_lowered  }
0x9b: {  	s22 =	simm.s32 $0x1BFF;
	s21 =	sshll.u32 s5, $0x1;
	s2 =	sadd.s32 s19, s18  }
0x9c: {  	s6 =	simm.s32 $0x0;
	s20 =	sshll.u32 s4, $0x1;
	s4 =	sadd.s32 s21, s2  }
0x9d: {  	[timem:s6], [sflag:s22] =	dma.local [hbm:s4], s20  }
0x9e: {  	_ =	swait.ge [sflag:s22], s20  }
0x9f: {  	s3 =	ssub.s32 $0x0, s20;
	[sflag:s22] =	ssyncset.done $0x0  }
0xa0: {  	[sflag:s22] =	ssyncadd.s32 s3;
	_ =	sdelay $0x1  }
0xa1: {  	s23 =	simm.s32 $0x1B8B  }
0xa2: {  	_ =	swait.ge [sflag:s23], $0x1  }
0xa3: {  	[sflag:s23] =	ssyncset.done $0x0  }
0xa4: {  	s25 =	simm.s32 $0x1B8E;
	s24 =	sld [smem:$0x3FFE];
	[sflag:s23] =	ssyncadd.s32 $0xFFFFFFFF  }
0xa5: {  	s26 =	simm.s32 $execute0_lowered;
	[smem:$0x3FD2] =	sst s25  }
0xa6: {  	s4 =	sshll.u32 s26, $0x1;
	_ =	strace $0x80000046;
	[dreg:$0x1] =	wrdreg $0xFFFFFFFF  }
0xa7: {  	s28 =	simm.s32 $_size_execute0_lowered;
	s2 =	sadd.s32 s2, s4;
	[dreg:$0x0] =	wrdreg $0x0  }
0xa8: {  	s4 =	sshll.u32 s28, $0x1;
	[dreg:$0x2] =	wrdreg s2  }
0xa9: {  	[dreg:$0x3] =	wrdreg s4  }
0xaa: {  	[dreg:$0x4] =	wrdreg $0xC0  }
0xab: {  	_ =	task [dreg:s6], $0x5FFFF  }
0xac: {  	[dreg:$0x1] =	wrdreg $0xFFFFFFFF  }
0xad: {  	[dreg:$0x0] =	wrdreg $0x60  }
0xae: {  	[dreg:$0x2] =	wrdreg s24  }
0xaf: {  	[dreg:$0x3] =	wrdreg $0x9  }
0xb0: {  	_ =	task.clear_ibuf [dreg:s6], $0x4FFFF;
	_ =	strace $0x90000046  }
0xb1: {  	s29 =	simm.s32 $0x9;
	_ =	strace $0x80000048  }
0xb2: {  	_ =	swait.ge [sflag:s29], $0x1  }
0xb3: {  	[sflag:s29] =	ssyncadd.s32 $0xFFFFFFFF  }
0xb4: {  	_ =	strace $0x90000048  }
0xb5: {  	_ =	sfence  }
0xb6: {  	s30 =	sld [smem:$0x0];
	_ =	sdelay $0x2  }
0xb7: {  	s31 =	sshll.u32 s1, $0xD;
	s1 =	sshrl.u32 s1, $0x2  }
0xb8: {  	s3 =	sand.u32 $0x4000, s31;
	s1 =	sadd.s32 s1, s30  }
0xb9: {  	s0 =	sor.u32 s3, s0;
	s1 =	sshll.u32 s1, $0x11  }
0xba: {  	s0 =	sor.u32 s1, s0  }
0xbb: {  	s0 =	sadd.s32 $0x8F2B, s0  }
0xbc: {  	[sflag:s0] =	ssyncadd.remote.s32 $0x1  }
0xbd: {  	_ =	sfence.sel $0xFFFF  }
0xbe: {  	[dreg:$0x0] =	wrdreg $0xFFFFFFFF;
	(pc) =	sbr.abs _section_cstart, $3  }
0xbf: {  	[dreg:$0x1] =	wrdreg $0xFFFFFFFF  }
0xc0: {  	_ =	task.clear_ibuf [dreg:s6], $0x2FFFF;
	_ =	strace $0x9FFFFFFF  }
0xc1: {  	(tm) =	ssettm $0x7FFFFFFF  }
tec
execute0_lowered:
.L_overlay_start_1:
0x0: {  	(tag) =	ssettag $0x1  }
0x1: {  	s0 =	srdreg.scid  }
0x2: {  	s1 =	stileid.u32;
	s6 =	rddreg [dreg:$0x0]  }
0x3: {  	s2 =	simm.s32 $0x0;
	s29 =	simm.s32 $0xD000;
	s30 =	simm.s32 $0xD800  }
0x4: {  	s31 =	simm.s32 $0xDC00;
	s10 =	simm.s32 $0xF000;
	s11 =	simm.s32 $0xF400  }
0x5: {  	s12 =	simm.s32 $0xFC00;
	s13 =	simm.s32 $0x10000;
	s14 =	simm.s32 $0x10800  }
0x6: {  	s15 =	simm.s32 $0x10C00;
	s16 =	simm.s32 $0x11400;
	s17 =	simm.s32 $0x11800  }
0x7: {  	s18 =	simm.s32 $0x12000;
	s19 =	simm.s32 $0x1;
	s20 =	simm.s32 $0x12400  }
0x8: {  	s21 =	simm.s32 $0x2;
	s0 =	sand.u32 $0x1, s0;
	s1 =	sshll.u32 s1, $0x1  }
0x9: {  	s22 =	simm.s32 $0x18400;
	s24 =	simm.s32 $0x4;
	s1 =	sor.u32 s0, s1  }
0xa: {  	s8 =	simm.s32 $0x0;
	s0 =	ssub.s32 $0x2, s0;
	s3 =	smul.u32 $0x6400, s1  }
0xb: {  	[smem:$0x7FF] =	sst s2;
	s4 =	sadd.s32 $0x19800, s6;
	s7 =	sshrl.u32 s0, $0x1  }
0xc: {  	s5 =	sadd.s32 $0x4AD600, s6;
	s0 =	ssub.s32 s0, s7;
	s1 =	sshrl.u32 s3, $0x3  }
0xd: {  	v2 =	vlaneseq.u32;
	_ =	strace $0x80000047;
	s0 =	smax.u32 s0, $0x1;
	s1 =	sadd.s32 s1, s6  }
0xe: {  	vm0 =	vmmov $0xffff;
	vm1 =	vmmov $0xff;
	v1 =	vshrl.u32 v2, $0x3;
	s7 =	sadd.s32 $0x19900, s6;
	[dreg:$0x3] =	wrdreg s0;
	s1 =	sadd.s32 $0x800, s1  }
0xf: {  	v0 =	vand.u32 $0x7, v2;
	v2 =	vor.u32 $0x8, v2;
	v1 =	vmul.u32 $0x8, v1;
	s0 =	simm.s32 $0xE800;
	[dreg:$0x2] =	wrdreg s1;
	s1 =	simm.s32 $0xE400  }
.LBB2_1:
0x10: {  	[dreg:$0x4] =	wrdreg s8  }
0x11: {  	s6 =	rddreg [dreg:$0x2];
	s9 =	simm.s32 $0x5  }
0x12: {  	[tilespmem:s2], [sflag:$0x5] =	stream.linear.gather [hbm4b:s6+s2], $0x6400, $0x38;
	[tilespmem:$0x1E400] =	vst v63  }
0x13: {  	_ =	swait.ge [sflag:s9], $0x6400  }
0x14: {  	[sflag:s9] =	ssyncset.done $0x0  }
0x15: {  	[sflag:s9] =	ssyncadd.s32 $0xFFFF9C00  }
0x16: {  	v3 =	vld [tilespmem:$0x0];
	_ =	sdelay $0x4  }
0x17: {  	v4 =	vshrl.u32 v3, $0x3  }
0x18: {  	v4 =	vmul.u32 $0x18, v4  }
0x19: {  	v3 =	vand.u32 $0x7, v3  }
0x1a: {  	v3 =	vor.u32 v3, v4  }
0x1b: {  	v4 =	vperm.xlane v3, v0;
	_ =	sdelay $0x1  }
0x1c: {  	v4 =	vadd.s32 v1, v4;
	_ =	sdelay $0x1  }
0x1d: {  	v3 =	vperm.xlane v3, v2;
	_ =	sdelay $0x1  }
0x1e: {  	s23 =	simm.s32 $0x6400;
	v3 =	vadd.s32 v1, v3  }
0x1f: {  	[tilespmem:s23], [sflag:$0x1] =	stream.indirect_vreg.gather [hbm4b:s4+s2], $0x80, v4, vm0, $0xb8;
	[tilespmem:$0x1E400] =	vst v63  }
0x20: {  	s25 =	simm.s32 $0x6C00  }
0x21: {  	[tilespmem:s25], [sflag:$0x1] =	stream.indirect_vreg.gather [hbm4b:s7+s2], $0x80, v4, vm1, $0xb8;
	[tilespmem:$0x1E400] =	vst v63  }
0x22: {  	s26 =	simm.s32 $0x7000  }
0x23: {  	[tilespmem:s26], [sflag:$0x1] =	stream.indirect_vreg.gather [hbm4b:s4+s2], $0x80, v3, vm0, $0xb8;
	[tilespmem:$0x1E400] =	vst v63  }
0x24: {  	s28 =	simm.s32 $0x7800  }
0x25: {  	[tilespmem:s28], [sflag:$0x1] =	stream.indirect_vreg.gather [hbm4b:s7+s2], $0x80, v3, vm1, $0xb8;
	[tilespmem:$0x1E400] =	vst v63  }
0x26: {  	v3 =	vld [tilespmem:$0x10];
	_ =	sdelay $0x4  }
0x27: {  	v61 =	vshrl.u32 v3, $0x3  }
0x28: {  	v4 =	vmul.u32 $0x18, v61  }
0x29: {  	v3 =	vand.u32 $0x7, v3  }
0x2a: {  	v3 =	vor.u32 v3, v4  }
0x2b: {  	v4 =	vperm.xlane v3, v0;
	_ =	sdelay $0x1  }
0x2c: {  	v4 =	vadd.s32 v1, v4;
	_ =	sdelay $0x1  }
0x2d: {  	v3 =	vperm.xlane v3, v2;
	_ =	sdelay $0x1  }
0x2e: {  	s8 =	simm.s32 $0x7C00;
	v3 =	vadd.s32 v1, v3  }
0x2f: {  	[tilespmem:s8], [sflag:$0x1] =	stream.indirect_vreg.gather [hbm4b:s4+s2], $0x80, v4, vm0, $0xb8;
	[tilespmem:$0x1E400] =	vst v63  }
0x30: {  	s9 =	simm.s32 $0x8400  }
0x31: {  	[tilespmem:s9], [sflag:$0x1] =	stream.indirect_vreg.gather [hbm4b:s7+s2], $0x80, v4, vm1, $0xb8;
	[tilespmem:$0x1E400] =	vst v63  }
0x32: {  	s23 =	simm.s32 $0x8800  }
0x33: {  	[tilespmem:s23], [sflag:$0x1] =	stream.indirect_vreg.gather [hbm4b:s4+s2], $0x80, v3, vm0, $0xb8;
	[tilespmem:$0x1E400] =	vst v63  }
0x34: {  	s25 =	simm.s32 $0x9000  }
0x35: {  	[tilespmem:s25], [sflag:$0x1] =	stream.indirect_vreg.gather [hbm4b:s7+s2], $0x80, v3, vm1, $0xb8;
	[tilespmem:$0x1E400] =	vst v63  }
0x36: {  	v3 =	vld [tilespmem:$0x20];
	_ =	sdelay $0x4  }
0x37: {  	v62 =	vshrl.u32 v3, $0x3  }
0x38: {  	v4 =	vmul.u32 $0x18, v62  }
0x39: {  	v3 =	vand.u32 $0x7, v3  }
0x3a: {  	v3 =	vor.u32 v3, v4  }
0x3b: {  	v4 =	vperm.xlane v3, v0;
	_ =	sdelay $0x1  }
0x3c: {  	v4 =	vadd.s32 v1, v4;
	_ =	sdelay $0x1  }
0x3d: {  	v3 =	vperm.xlane v3, v2;
	_ =	sdelay $0x1  }
0x3e: {  	s26 =	simm.s32 $0x9400;
	v3 =	vadd.s32 v1, v3  }
0x3f: {  	[tilespmem:s26], [sflag:$0x1] =	stream.indirect_vreg.gather [hbm4b:s4+s2], $0x80, v4, vm0, $0xb8;
	[tilespmem:$0x1E400] =	vst v63  }
0x40: {  	s28 =	simm.s32 $0x9C00  }
0x41: {  	[tilespmem:s28], [sflag:$0x1] =	stream.indirect_vreg.gather [hbm4b:s7+s2], $0x80, v4, vm1, $0xb8;
	[tilespmem:$0x1E400] =	vst v63  }
0x42: {  	s8 =	simm.s32 $0xA000  }
0x43: {  	[tilespmem:s8], [sflag:$0x1] =	stream.indirect_vreg.gather [hbm4b:s4+s2], $0x80, v3, vm0, $0xb8;
	[tilespmem:$0x1E400] =	vst v63  }
0x44: {  	s9 =	simm.s32 $0xA800  }
0x45: {  	[tilespmem:s9], [sflag:$0x1] =	stream.indirect_vreg.gather [hbm4b:s7+s2], $0x80, v3, vm1, $0xb8;
	[tilespmem:$0x1E400] =	vst v63  }
0x46: {  	v3 =	vld [tilespmem:$0x30];
	_ =	sdelay $0x4  }
0x47: {  	v63 =	vshrl.u32 v3, $0x3  }
0x48: {  	v4 =	vmul.u32 $0x18, v63  }
0x49: {  	v3 =	vand.u32 $0x7, v3  }
0x4a: {  	v3 =	vor.u32 v3, v4  }
0x4b: {  	v4 =	vperm.xlane v3, v0;
	_ =	sdelay $0x1  }
0x4c: {  	v4 =	vadd.s32 v1, v4;
	_ =	sdelay $0x1  }
0x4d: {  	v3 =	vperm.xlane v3, v2;
	_ =	sdelay $0x1  }
0x4e: {  	s23 =	simm.s32 $0xAC00;
	v3 =	vadd.s32 v1, v3  }
0x4f: {  	[tilespmem:s23], [sflag:$0x1] =	stream.indirect_vreg.gather [hbm4b:s4+s2], $0x80, v4, vm0, $0xb8;
	[tilespmem:$0x1E400] =	vst v63  }
0x50: {  	s25 =	simm.s32 $0xB400  }
0x51: {  	[tilespmem:s25], [sflag:$0x1] =	stream.indirect_vreg.gather [hbm4b:s7+s2], $0x80, v4, vm1, $0xb8;
	[tilespmem:$0x1E400] =	vst v63  }
0x52: {  	s26 =	simm.s32 $0xB800  }
0x53: {  	[tilespmem:s26], [sflag:$0x1] =	stream.indirect_vreg.gather [hbm4b:s4+s2], $0x80, v3, vm0, $0xb8;
	[tilespmem:$0x1E400] =	vst v63  }
0x54: {  	s6 =	simm.s32 $0x0;
	s28 =	simm.s32 $0xC000  }
0x55: {  	[tilespmem:s28], [sflag:$0x1] =	stream.indirect_vreg.gather [hbm4b:s7+s2], $0x80, v3, vm1, $0xb8;
	[tilespmem:$0x1E400] =	vst v63  }
.LBB2_2:
0x56: {  	s8 =	sshllo.u32 s6, $0x1  }
0x57: {  	s8 =	sshll.u32 s8, $0x6  }
0x58: {  	s9 =	sand.u32 $0x3FFFFFC0, s8  }
0x59: {  	v3 =	vld [tilespmem:s9+$0x0];
	_ =	sdelay $0x4  }
0x5a: {  	v4 =	vshrl.u32 v3, $0x3  }
0x5b: {  	v4 =	vmul.u32 $0x18, v4  }
0x5c: {  	v3 =	vand.u32 $0x7, v3  }
0x5d: {  	v3 =	vor.u32 v3, v4  }
0x5e: {  	v4 =	vperm.xlane v3, v0;
	_ =	sdelay $0x1  }
0x5f: {  	v4 =	vadd.s32 v1, v4;
	_ =	sdelay $0x1  }
0x60: {  	v3 =	vperm.xlane v3, v2;
	_ =	sdelay $0x1  }
0x61: {  	s23 =	simm.s32 $0xC400;
	v3 =	vadd.s32 v1, v3  }
0x62: {  	[tilespmem:s23], [sflag:$0x2] =	stream.indirect_vreg.gather [hbm4b:s4+s2], $0x80, v4, vm0, $0xb8;
	[tilespmem:$0x1E400] =	vst v63  }
0x63: {  	s26 =	simm.s32 $0xCC00  }
0x64: {  	[tilespmem:s26], [sflag:$0x2] =	stream.indirect_vreg.gather [hbm4b:s7+s2], $0x80, v4, vm1, $0xb8;
	[tilespmem:$0x1E400] =	vst v63  }
0x65: {  	_ = 	snop  }
0x66: {  	[tilespmem:s29], [sflag:$0x2] =	stream.indirect_vreg.gather [hbm4b:s4+s2], $0x80, v3, vm0, $0xb8;
	[tilespmem:$0x1E400] =	vst v63  }
0x67: {  	_ = 	snop  }
0x68: {  	[tilespmem:s30], [sflag:$0x2] =	stream.indirect_vreg.gather [hbm4b:s7+s2], $0x80, v3, vm1, $0xb8;
	[tilespmem:$0x1E400] =	vst v63  }
0x69: {  	v3 =	vld [tilespmem:s9+$0x10];
	_ =	sdelay $0x4  }
0x6a: {  	v4 =	vshrl.u32 v3, $0x3  }
0x6b: {  	v4 =	vmul.u32 $0x18, v4  }
0x6c: {  	v3 =	vand.u32 $0x7, v3  }
0x6d: {  	v3 =	vor.u32 v3, v4  }
0x6e: {  	v4 =	vperm.xlane v3, v0;
	_ =	sdelay $0x1  }
0x6f: {  	v4 =	vadd.s32 v1, v4;
	_ =	sdelay $0x1  }
0x70: {  	v3 =	vperm.xlane v3, v2;
	_ =	sdelay $0x1  }
0x71: {  	v3 =	vadd.s32 v1, v3  }
0x72: {  	[tilespmem:s31], [sflag:$0x2] =	stream.indirect_vreg.gather [hbm4b:s4+s2], $0x80, v4, vm0, $0xb8;
	[tilespmem:$0x1E400] =	vst v63  }
0x73: {  	_ = 	snop  }
0x74: {  	[tilespmem:s1], [sflag:$0x2] =	stream.indirect_vreg.gather [hbm4b:s7+s2], $0x80, v4, vm1, $0xb8;
	[tilespmem:$0x1E400] =	vst v63  }
0x75: {  	_ = 	snop  }
0x76: {  	[tilespmem:s0], [sflag:$0x2] =	stream.indirect_vreg.gather [hbm4b:s4+s2], $0x80, v3, vm0, $0xb8;
	[tilespmem:$0x1E400] =	vst v63  }
0x77: {  	_ = 	snop  }
0x78: {  	[tilespmem:s10], [sflag:$0x2] =	stream.indirect_vreg.gather [hbm4b:s7+s2], $0x80, v3, vm1, $0xb8;
	[tilespmem:$0x1E400] =	vst v63  }
0x79: {  	v3 =	vld [tilespmem:s9+$0x20];
	_ =	sdelay $0x4  }
0x7a: {  	v4 =	vshrl.u32 v3, $0x3  }
0x7b: {  	v4 =	vmul.u32 $0x18, v4  }
0x7c: {  	v3 =	vand.u32 $0x7, v3  }
0x7d: {  	v3 =	vor.u32 v3, v4  }
0x7e: {  	v4 =	vperm.xlane v3, v0;
	_ =	sdelay $0x1  }
0x7f: {  	v4 =	vadd.s32 v1, v4;
	_ =	sdelay $0x1  }
0x80: {  	v3 =	vperm.xlane v3, v2;
	_ =	sdelay $0x1  }
0x81: {  	v3 =	vadd.s32 v1, v3  }
0x82: {  	[tilespmem:s11], [sflag:$0x2] =	stream.indirect_vreg.gather [hbm4b:s4+s2], $0x80, v4, vm0, $0xb8;
	[tilespmem:$0x1E400] =	vst v63  }
0x83: {  	_ = 	snop  }
0x84: {  	[tilespmem:s12], [sflag:$0x2] =	stream.indirect_vreg.gather [hbm4b:s7+s2], $0x80, v4, vm1, $0xb8;
	[tilespmem:$0x1E400] =	vst v63  }
0x85: {  	_ = 	snop  }
0x86: {  	[tilespmem:s13], [sflag:$0x2] =	stream.indirect_vreg.gather [hbm4b:s4+s2], $0x80, v3, vm0, $0xb8;
	[tilespmem:$0x1E400] =	vst v63  }
0x87: {  	_ = 	snop  }
0x88: {  	[tilespmem:s14], [sflag:$0x2] =	stream.indirect_vreg.gather [hbm4b:s7+s2], $0x80, v3, vm1, $0xb8;
	[tilespmem:$0x1E400] =	vst v63  }
0x89: {  	v3 =	vld [tilespmem:s9+$0x30];
	_ =	sdelay $0x4  }
0x8a: {  	v4 =	vshrl.u32 v3, $0x3  }
0x8b: {  	v4 =	vmul.u32 $0x18, v4  }
0x8c: {  	v3 =	vand.u32 $0x7, v3  }
0x8d: {  	v3 =	vor.u32 v3, v4  }
0x8e: {  	v4 =	vperm.xlane v3, v0;
	_ =	sdelay $0x1  }
0x8f: {  	v4 =	vadd.s32 v1, v4;
	_ =	sdelay $0x1  }
0x90: {  	v3 =	vperm.xlane v3, v2;
	_ =	sdelay $0x1  }
0x91: {  	v3 =	vadd.s32 v1, v3  }
0x92: {  	[tilespmem:s15], [sflag:$0x2] =	stream.indirect_vreg.gather [hbm4b:s4+s2], $0x80, v4, vm0, $0xb8;
	[tilespmem:$0x1E400] =	vst v63  }
0x93: {  	_ = 	snop  }
0x94: {  	[tilespmem:s16], [sflag:$0x2] =	stream.indirect_vreg.gather [hbm4b:s7+s2], $0x80, v4, vm1, $0xb8;
	[tilespmem:$0x1E400] =	vst v63  }
0x95: {  	p0 =	seq.s32 s6, $0x0  }
0x96: {  	[tilespmem:s17], [sflag:$0x2] =	stream.indirect_vreg.gather [hbm4b:s4+s2], $0x80, v3, vm0, $0xb8;
	[tilespmem:$0x1E400] =	vst v63  }
0x97: {  	s9 =	simm.s32 @!p0 $0x3  }
0x98: {  	[tilespmem:s18], [sflag:$0x2] =	stream.indirect_vreg.gather [hbm4b:s7+s2], $0x80, v3, vm1, $0xb8;
	[tilespmem:$0x1E400] =	vst v63  }
0x99: {  	_ =	swait.ge @!p0 [sflag:s9], $0x6000  }
0x9a: {  	[sflag:s9] =	ssyncset.done @!p0 $0x0  }
0x9b: {  	s28 =	simm.s32 $0x0;
	[sflag:s9] =	ssyncadd.s32 @!p0 $0xFFFFA000  }
0x9c: {  	s23 =	simm.s32 $0x0;
	s9 =	smul.u32 $0xC00, s28;
	_ =	swait.ge [sflag:s19], $0x6000  }
0x9d: {  	s25 =	sand.u32 $0x380, s23;
	[sflag:s19] =	ssyncset.done $0x0  }
0x9e: {  	s9 =	sor.u32 s25, s9;
	[sflag:s19] =	ssyncadd.s32 $0xFFFFA000  }
0x9f: {  	v3 =	vld.msk [tilespmem:s9+$0x6C20], $0xfff  }
0xa0: {  	v4 =	vld [tilespmem:s9+$0x6400]  }
0xa1: {  	v5 =	vld [tilespmem:s9+$0x6410]  }
0xa2: {  	v6 =	vld [tilespmem:s9+$0x6420]  }
0xa3: {  	v7 =	vld [tilespmem:s9+$0x6430]  }
0xa4: {  	v8 =	vld [tilespmem:s9+$0x6440];
	[tilespmem:s9+$0x12C20] =	vst.msk $0xfff, v3  }
0xa5: {  	v9 =	vld [tilespmem:s9+$0x6800];
	[tilespmem:s9+$0x12400] =	vst v4  }
0xa6: {  	v3 =	vld [tilespmem:s9+$0x6450];
	[tilespmem:s9+$0x12410] =	vst v5  }
0xa7: {  	v4 =	vld [tilespmem:s9+$0x6460];
	[tilespmem:s9+$0x12420] =	vst v6  }
0xa8: {  	v5 =	vld [tilespmem:s9+$0x6470];
	[tilespmem:s9+$0x12430] =	vst v7  }
0xa9: {  	[tilespmem:s9+$0x12440] =	vst v8;
	v8 =	vld [tilespmem:s9+$0x6810]  }
0xaa: {  	v7 =	vld [tilespmem:s9+$0x6820];
	[tilespmem:s9+$0x12800] =	vst v9  }
0xab: {  	v6 =	vld [tilespmem:s9+$0x6830];
	[tilespmem:s9+$0x12450] =	vst v3  }
0xac: {  	[tilespmem:s9+$0x12460] =	vst v4;
	v4 =	vld [tilespmem:s9+$0x6840]  }
0xad: {  	[tilespmem:s9+$0x12470] =	vst v5;
	v3 =	vld [tilespmem:s9+$0x6850]  }
0xae: {  	s26 =	simm.s32 $0x0;
	s25 =	simm.s32 $0x2;
	[tilespmem:s9+$0x12810] =	vst v8;
	v5 =	vld [tilespmem:s9+$0x6860]  }
.LBB2_3:
0xaf: {  	p0 =	sne.s32 s25, $0x3F;
	s26 =	smul.u32 $0xC00, s26;
	[tilespmem:s9+$0x12820] =	vst v7;
	v7 =	vld [tilespmem:s9+$0x6870];
	s23 =	sadd.s32 $0x80, s23  }
0xb0: {  	s28 =	sand.u32 $0x380, s23;
	[tilespmem:s9+$0x12830] =	vst v6;
	v6 =	vld [tilespmem:s9+$0x6C00]  }
0xb1: {  	s26 =	sor.u32 s28, s26;
	[tilespmem:s9+$0x12840] =	vst v4;
	v4 =	vld [tilespmem:s9+$0x6C10]  }
0xb2: {  	v8 =	vld.msk [tilespmem:s26+$0x6C20], $0xfff;
	[tilespmem:s9+$0x12850] =	vst v3  }
0xb3: {  	v3 =	vld [tilespmem:s26+$0x6400];
	[tilespmem:s9+$0x12860] =	vst v5  }
0xb4: {  	v5 =	vld [tilespmem:s26+$0x6410];
	[tilespmem:s9+$0x12870] =	vst v7  }
0xb5: {  	v7 =	vld [tilespmem:s26+$0x6420];
	[tilespmem:s9+$0x12C00] =	vst v6  }
0xb6: {  	v6 =	vld [tilespmem:s26+$0x6430];
	[tilespmem:s9+$0x12C10] =	vst v4;
	s9 =	smov.u32 s26  }
0xb7: {  	v4 =	vld [tilespmem:s9+$0x6440];
	[tilespmem:s9+$0x12C20] =	vst.msk $0xfff, v8  }
0xb8: {  	[tilespmem:s9+$0x12400] =	vst v3;
	v3 =	vld [tilespmem:s9+$0x6450]  }
0xb9: {  	[tilespmem:s9+$0x12410] =	vst v5;
	v5 =	vld [tilespmem:s9+$0x6460]  }
0xba: {  	[tilespmem:s9+$0x12420] =	vst v7;
	v8 =	vld [tilespmem:s9+$0x6470]  }
0xbb: {  	[tilespmem:s9+$0x12430] =	vst v6;
	v9 =	vld [tilespmem:s9+$0x6800]  }
0xbc: {  	[tilespmem:s9+$0x12440] =	vst v4;
	v10 =	vld [tilespmem:s9+$0x6810]  }
.Ltmp0:
0xbd: {  	[tilespmem:s9+$0x12450] =	vst v3;
	v7 =	vld [tilespmem:s9+$0x6820];
	(pc) =	sbr.rel @p0 .LBB2_3-.Ltmp0, $4  }
0xbe: {  	[tilespmem:s9+$0x12460] =	vst v5;
	v6 =	vld [tilespmem:s9+$0x6830]  }
0xbf: {  	[tilespmem:s9+$0x12470] =	vst v8;
	v4 =	vld [tilespmem:s9+$0x6840]  }
0xc0: {  	[tilespmem:s9+$0x12800] =	vst v9;
	v3 =	vld [tilespmem:s9+$0x6850]  }
0xc1: {  	s26 =	sshrl.u32 s25, $0x3;
	s25 =	sadd.s32 $0x1, s25;
	[tilespmem:s9+$0x12810] =	vst v10;
	v5 =	vld [tilespmem:s9+$0x6860]  }
0xc2: {  	[tilespmem:s9+$0x12820] =	vst v7;
	v7 =	vld [tilespmem:s9+$0x6870];
	s25 =	smul.u32 $0xC00, s26;
	s23 =	sadd.s32 $0x80, s23  }
0xc3: {  	[tilespmem:s9+$0x12830] =	vst v6;
	v6 =	vld [tilespmem:s9+$0x6C00];
	s23 =	sand.u32 $0x380, s23  }
0xc4: {  	[tilespmem:s9+$0x12840] =	vst v4;
	s23 =	sor.u32 s23, s25;
	v4 =	vld [tilespmem:s9+$0x6C10]  }
0xc5: {  	v8 =	vld.msk [tilespmem:s23+$0x6C20], $0xfff;
	[tilespmem:s9+$0x12850] =	vst v3  }
0xc6: {  	v3 =	vld [tilespmem:s23+$0x6400];
	[tilespmem:s9+$0x12860] =	vst v5  }
0xc7: {  	v5 =	vld [tilespmem:s23+$0x6410];
	[tilespmem:s9+$0x12870] =	vst v7  }
0xc8: {  	v7 =	vld [tilespmem:s23+$0x6420];
	[tilespmem:s9+$0x12C00] =	vst v6  }
0xc9: {  	v6 =	vld [tilespmem:s23+$0x6430];
	[tilespmem:s9+$0x12C10] =	vst v4  }
0xca: {  	v4 =	vld [tilespmem:s23+$0x6440];
	[tilespmem:s23+$0x12C20] =	vst.msk $0xfff, v8  }
0xcb: {  	[tilespmem:s23+$0x12400] =	vst v3;
	v3 =	vld [tilespmem:s23+$0x6450]  }
0xcc: {  	[tilespmem:s23+$0x12410] =	vst v5;
	v5 =	vld [tilespmem:s23+$0x6460]  }
0xcd: {  	[tilespmem:s23+$0x12420] =	vst v7;
	v7 =	vld [tilespmem:s23+$0x6470]  }
0xce: {  	[tilespmem:s23+$0x12430] =	vst v6;
	v6 =	vld [tilespmem:s23+$0x6800]  }
0xcf: {  	[tilespmem:s23+$0x12440] =	vst v4;
	v4 =	vld [tilespmem:s23+$0x6810]  }
0xd0: {  	[tilespmem:s23+$0x12450] =	vst v3;
	v3 =	vld [tilespmem:s23+$0x6820]  }
0xd1: {  	[tilespmem:s23+$0x12460] =	vst v5;
	v5 =	vld [tilespmem:s23+$0x6830]  }
0xd2: {  	[tilespmem:s23+$0x12470] =	vst v7;
	v7 =	vld [tilespmem:s23+$0x6840]  }
0xd3: {  	[tilespmem:s23+$0x12800] =	vst v6;
	v6 =	vld [tilespmem:s23+$0x6850]  }
0xd4: {  	[tilespmem:s23+$0x12810] =	vst v4;
	v4 =	vld [tilespmem:s23+$0x6860]  }
0xd5: {  	[tilespmem:s23+$0x12820] =	vst v3;
	v3 =	vld [tilespmem:s23+$0x6870]  }
0xd6: {  	[tilespmem:s23+$0x12830] =	vst v5;
	v5 =	vld [tilespmem:s23+$0x6C00]  }
0xd7: {  	s25 =	sshll.u32 s6, $0x7;
	[tilespmem:s23+$0x12840] =	vst v7;
	v7 =	vld [tilespmem:s23+$0x6C10]  }
0xd8: {  	s9 =	sadd.s32 s3, s25;
	[tilespmem:s23+$0x12850] =	vst v6  }
0xd9: {  	s9 =	sshrl.u32 s9, $0x3;
	[tilespmem:s23+$0x12860] =	vst v4  }
0xda: {  	s9 =	smul.u32 $0x180, s9;
	[tilespmem:s23+$0x12870] =	vst v3  }
0xdb: {  	[tilespmem:s23+$0x12C00] =	vst v5  }
0xdc: {  	p0 =	seq.s32 s6, $0xC7;
	s9 =	sadd.s32 s5, s9;
	[tilespmem:s23+$0x12C10] =	vst v7  }
0xdd: {  	[hbm4b:s9+s2] =	stream.linear.scatter [tilespmem:s20], [sflag:$0x3], $0x6000, $0x38;
	[tilespmem:$0x1E400] =	vst v63  }
0xde: {  	s9 =	sshll.u32 @!p0 s6, $0x7  }
0xdf: {  	s9 =	sand.u32 @!p0 $0x3FFFFF80, s9  }
0xe0: {  	v3 =	vld @!p0 [tilespmem:s9+$0x80];
	_ =	sdelay $0x4  }
0xe1: {  	v4 =	vshrl.u32 @!p0 v3, $0x3  }
0xe2: {  	v4 =	vmul.u32 @!p0 $0x18, v4  }
0xe3: {  	v5 =	vlaneseq.u32 @!p0;
	v3 =	vand.u32 @!p0 $0x7, v3  }
0xe4: {  	v6 =	vshrl.u32 @!p0 v5, $0x3;
	v3 =	vor.u32 @!p0 v3, v4;
	v4 =	vand.u32 @!p0 $0x7, v5  }
0xe5: {  	v6 =	vmul.u32 @!p0 $0x8, v6;
	v7 =	vperm.xlane @!p0 v3, v4;
	_ =	sdelay $0x1  }
0xe6: {  	v7 =	vadd.s32 @!p0 v6, v7  }
0xe7: {  	v5 =	vor.u32 @!p0 $0x8, v5  }
0xe8: {  	v3 =	vperm.xlane @!p0 v3, v5;
	_ =	sdelay $0x1  }
0xe9: {  	vm2 =	vmmov @!p0 $0xffff;
	s25 =	simm.s32 @!p0 $0x6400;
	s23 =	simm.s32 @!p0 $0x0;
	v3 =	vadd.s32 @!p0 v6, v3  }
0xea: {  	[tilespmem:s25], [sflag:$0x1] =	stream.indirect_vreg.gather @!p0 [hbm4b:s4+s23], $0x80, v7, vm2, $0xb8;
	[tilespmem:$0x1E400] =	vst v63  }
0xeb: {  	vm3 =	vmmov @!p0 $0xff;
	s25 =	simm.s32 @!p0 $0x6C00  }
0xec: {  	[tilespmem:s25], [sflag:$0x1] =	stream.indirect_vreg.gather @!p0 [hbm4b:s7+s23], $0x80, v7, vm3, $0xb8;
	[tilespmem:$0x1E400] =	vst v63  }
0xed: {  	s25 =	simm.s32 @!p0 $0x7000  }
0xee: {  	[tilespmem:s25], [sflag:$0x1] =	stream.indirect_vreg.gather @!p0 [hbm4b:s4+s23], $0x80, v3, vm2, $0xb8;
	[tilespmem:$0x1E400] =	vst v63  }
0xef: {  	s25 =	simm.s32 @!p0 $0x7800  }
0xf0: {  	[tilespmem:s25], [sflag:$0x1] =	stream.indirect_vreg.gather @!p0 [hbm4b:s7+s23], $0x80, v3, vm3, $0xb8;
	[tilespmem:$0x1E400] =	vst v63  }
0xf1: {  	v3 =	vld @!p0 [tilespmem:s9+$0x90];
	_ =	sdelay $0x4  }
0xf2: {  	v7 =	vshrl.u32 @!p0 v3, $0x3  }
0xf3: {  	v7 =	vmul.u32 @!p0 $0x18, v7  }
0xf4: {  	v3 =	vand.u32 @!p0 $0x7, v3  }
0xf5: {  	v3 =	vor.u32 @!p0 v3, v7  }
0xf6: {  	v7 =	vperm.xlane @!p0 v3, v4;
	_ =	sdelay $0x1  }
0xf7: {  	v7 =	vadd.s32 @!p0 v6, v7;
	_ =	sdelay $0x1  }
0xf8: {  	v3 =	vperm.xlane @!p0 v3, v5;
	_ =	sdelay $0x1  }
0xf9: {  	s25 =	simm.s32 @!p0 $0x7C00;
	v3 =	vadd.s32 @!p0 v6, v3  }
0xfa: {  	[tilespmem:s25], [sflag:$0x1] =	stream.indirect_vreg.gather @!p0 [hbm4b:s4+s23], $0x80, v7, vm2, $0xb8;
	[tilespmem:$0x1E400] =	vst v63  }
0xfb: {  	s25 =	simm.s32 @!p0 $0x8400  }
0xfc: {  	[tilespmem:s25], [sflag:$0x1] =	stream.indirect_vreg.gather @!p0 [hbm4b:s7+s23], $0x80, v7, vm3, $0xb8;
	[tilespmem:$0x1E400] =	vst v63  }
0xfd: {  	s25 =	simm.s32 @!p0 $0x8800  }
0xfe: {  	[tilespmem:s25], [sflag:$0x1] =	stream.indirect_vreg.gather @!p0 [hbm4b:s4+s23], $0x80, v3, vm2, $0xb8;
	[tilespmem:$0x1E400] =	vst v63  }
0xff: {  	s25 =	simm.s32 @!p0 $0x9000  }
0x100: {  	[tilespmem:s25], [sflag:$0x1] =	stream.indirect_vreg.gather @!p0 [hbm4b:s7+s23], $0x80, v3, vm3, $0xb8;
	[tilespmem:$0x1E400] =	vst v63  }
0x101: {  	v3 =	vld @!p0 [tilespmem:s9+$0xA0];
	_ =	sdelay $0x4  }
0x102: {  	v7 =	vshrl.u32 @!p0 v3, $0x3  }
0x103: {  	v7 =	vmul.u32 @!p0 $0x18, v7  }
0x104: {  	v3 =	vand.u32 @!p0 $0x7, v3  }
0x105: {  	v3 =	vor.u32 @!p0 v3, v7  }
0x106: {  	v7 =	vperm.xlane @!p0 v3, v4;
	_ =	sdelay $0x1  }
0x107: {  	v7 =	vadd.s32 @!p0 v6, v7;
	_ =	sdelay $0x1  }
0x108: {  	v3 =	vperm.xlane @!p0 v3, v5;
	_ =	sdelay $0x1  }
0x109: {  	s25 =	simm.s32 @!p0 $0x9400;
	v3 =	vadd.s32 @!p0 v6, v3  }
0x10a: {  	[tilespmem:s25], [sflag:$0x1] =	stream.indirect_vreg.gather @!p0 [hbm4b:s4+s23], $0x80, v7, vm2, $0xb8;
	[tilespmem:$0x1E400] =	vst v63  }
0x10b: {  	s25 =	simm.s32 @!p0 $0x9C00  }
0x10c: {  	[tilespmem:s25], [sflag:$0x1] =	stream.indirect_vreg.gather @!p0 [hbm4b:s7+s23], $0x80, v7, vm3, $0xb8;
	[tilespmem:$0x1E400] =	vst v63  }
0x10d: {  	s25 =	simm.s32 @!p0 $0xA000  }
0x10e: {  	[tilespmem:s25], [sflag:$0x1] =	stream.indirect_vreg.gather @!p0 [hbm4b:s4+s23], $0x80, v3, vm2, $0xb8;
	[tilespmem:$0x1E400] =	vst v63  }
0x10f: {  	s25 =	simm.s32 @!p0 $0xA800  }
0x110: {  	[tilespmem:s25], [sflag:$0x1] =	stream.indirect_vreg.gather @!p0 [hbm4b:s7+s23], $0x80, v3, vm3, $0xb8;
	[tilespmem:$0x1E400] =	vst v63  }
0x111: {  	v3 =	vld @!p0 [tilespmem:s9+$0xB0];
	_ =	sdelay $0x4  }
0x112: {  	v7 =	vshrl.u32 @!p0 v3, $0x3  }
0x113: {  	v7 =	vmul.u32 @!p0 $0x18, v7  }
0x114: {  	v3 =	vand.u32 @!p0 $0x7, v3  }
0x115: {  	v3 =	vor.u32 @!p0 v3, v7  }
0x116: {  	v4 =	vperm.xlane @!p0 v3, v4;
	_ =	sdelay $0x1  }
0x117: {  	v4 =	vadd.s32 @!p0 v6, v4;
	_ =	sdelay $0x1  }
0x118: {  	v3 =	vperm.xlane @!p0 v3, v5;
	_ =	sdelay $0x1  }
0x119: {  	s9 =	simm.s32 @!p0 $0xAC00;
	v3 =	vadd.s32 @!p0 v6, v3  }
0x11a: {  	[tilespmem:s9], [sflag:$0x1] =	stream.indirect_vreg.gather @!p0 [hbm4b:s4+s23], $0x80, v4, vm2, $0xb8;
	[tilespmem:$0x1E400] =	vst v63  }
0x11b: {  	s9 =	simm.s32 @!p0 $0xB400  }
0x11c: {  	[tilespmem:s9], [sflag:$0x1] =	stream.indirect_vreg.gather @!p0 [hbm4b:s7+s23], $0x80, v4, vm3, $0xb8;
	[tilespmem:$0x1E400] =	vst v63  }
0x11d: {  	s9 =	simm.s32 @!p0 $0xB800  }
0x11e: {  	[tilespmem:s9], [sflag:$0x1] =	stream.indirect_vreg.gather @!p0 [hbm4b:s4+s23], $0x80, v3, vm2, $0xb8;
	[tilespmem:$0x1E400] =	vst v63  }
0x11f: {  	p1 =	seq.s32 @!p0 s6, $0x0;
	s9 =	simm.s32 @!p0 $0xC000  }
0x120: {  	[tilespmem:s9], [sflag:$0x1] =	stream.indirect_vreg.gather @!p0 [hbm4b:s7+s23], $0x80, v3, vm3, $0xb8;
	[tilespmem:$0x1E400] =	vst v63  }
0x121: {  	p0 =	por p0, !p1  }
0x122: {  	_ =	swait.ge @p0 [sflag:s24], $0x6000  }
0x123: {  	[sflag:s24] =	ssyncset.done @p0 $0x0  }
0x124: {  	s26 =	simm.s32 $0x0;
	[sflag:s24] =	ssyncadd.s32 @p0 $0xFFFFA000  }
0x125: {  	s23 =	simm.s32 $0x0;
	s9 =	smul.u32 $0xC00, s26;
	_ =	swait.ge [sflag:s21], $0x6000  }
0x126: {  	s28 =	sand.u32 $0x380, s23;
	[sflag:s21] =	ssyncset.done $0x0  }
0x127: {  	s9 =	sor.u32 s28, s9;
	[sflag:s21] =	ssyncadd.s32 $0xFFFFA000  }
0x128: {  	v3 =	vld.msk [tilespmem:s9+$0xCC20], $0xfff  }
0x129: {  	v4 =	vld [tilespmem:s9+$0xC400]  }
0x12a: {  	v5 =	vld [tilespmem:s9+$0xC410]  }
0x12b: {  	v6 =	vld [tilespmem:s9+$0xC420]  }
0x12c: {  	v7 =	vld [tilespmem:s9+$0xC430]  }
0x12d: {  	v8 =	vld [tilespmem:s9+$0xC440];
	[tilespmem:s9+$0x18C20] =	vst.msk $0xfff, v3  }
0x12e: {  	v9 =	vld [tilespmem:s9+$0xC800];
	[tilespmem:s9+$0x18400] =	vst v4  }
0x12f: {  	v3 =	vld [tilespmem:s9+$0xC450];
	[tilespmem:s9+$0x18410] =	vst v5  }
0x130: {  	v4 =	vld [tilespmem:s9+$0xC460];
	[tilespmem:s9+$0x18420] =	vst v6  }
0x131: {  	v5 =	vld [tilespmem:s9+$0xC470];
	[tilespmem:s9+$0x18430] =	vst v7  }
0x132: {  	[tilespmem:s9+$0x18440] =	vst v8;
	v8 =	vld [tilespmem:s9+$0xC810]  }
0x133: {  	v7 =	vld [tilespmem:s9+$0xC820];
	[tilespmem:s9+$0x18800] =	vst v9  }
0x134: {  	v6 =	vld [tilespmem:s9+$0xC830];
	[tilespmem:s9+$0x18450] =	vst v3  }
0x135: {  	[tilespmem:s9+$0x18460] =	vst v4;
	v4 =	vld [tilespmem:s9+$0xC840]  }
0x136: {  	[tilespmem:s9+$0x18470] =	vst v5;
	v3 =	vld [tilespmem:s9+$0xC850]  }
0x137: {  	s25 =	simm.s32 $0x2;
	s26 =	simm.s32 $0x0;
	[tilespmem:s9+$0x18810] =	vst v8;
	v5 =	vld [tilespmem:s9+$0xC860]  }
.LBB2_5:
0x138: {  	p0 =	sne.s32 s25, $0x3F;
	s26 =	smul.u32 $0xC00, s26;
	[tilespmem:s9+$0x18820] =	vst v7;
	v7 =	vld [tilespmem:s9+$0xC870];
	s23 =	sadd.s32 $0x80, s23  }
0x139: {  	s28 =	sand.u32 $0x380, s23;
	[tilespmem:s9+$0x18830] =	vst v6;
	v6 =	vld [tilespmem:s9+$0xCC00]  }
0x13a: {  	s26 =	sor.u32 s28, s26;
	[tilespmem:s9+$0x18840] =	vst v4;
	v4 =	vld [tilespmem:s9+$0xCC10]  }
0x13b: {  	v8 =	vld.msk [tilespmem:s26+$0xCC20], $0xfff;
	[tilespmem:s9+$0x18850] =	vst v3  }
0x13c: {  	v3 =	vld [tilespmem:s26+$0xC400];
	[tilespmem:s9+$0x18860] =	vst v5  }
0x13d: {  	v5 =	vld [tilespmem:s26+$0xC410];
	[tilespmem:s9+$0x18870] =	vst v7  }
0x13e: {  	v7 =	vld [tilespmem:s26+$0xC420];
	[tilespmem:s9+$0x18C00] =	vst v6  }
0x13f: {  	v6 =	vld [tilespmem:s26+$0xC430];
	[tilespmem:s9+$0x18C10] =	vst v4;
	s9 =	smov.u32 s26  }
0x140: {  	v4 =	vld [tilespmem:s9+$0xC440];
	[tilespmem:s9+$0x18C20] =	vst.msk $0xfff, v8  }
0x141: {  	[tilespmem:s9+$0x18400] =	vst v3;
	v3 =	vld [tilespmem:s9+$0xC450]  }
0x142: {  	[tilespmem:s9+$0x18410] =	vst v5;
	v5 =	vld [tilespmem:s9+$0xC460]  }
0x143: {  	[tilespmem:s9+$0x18420] =	vst v7;
	v8 =	vld [tilespmem:s9+$0xC470]  }
0x144: {  	[tilespmem:s9+$0x18430] =	vst v6;
	v9 =	vld [tilespmem:s9+$0xC800]  }
0x145: {  	[tilespmem:s9+$0x18440] =	vst v4;
	v10 =	vld [tilespmem:s9+$0xC810]  }
.Ltmp1:
0x146: {  	[tilespmem:s9+$0x18450] =	vst v3;
	v7 =	vld [tilespmem:s9+$0xC820];
	(pc) =	sbr.rel @p0 .LBB2_5-.Ltmp1, $4  }
0x147: {  	[tilespmem:s9+$0x18460] =	vst v5;
	v6 =	vld [tilespmem:s9+$0xC830]  }
0x148: {  	[tilespmem:s9+$0x18470] =	vst v8;
	v4 =	vld [tilespmem:s9+$0xC840]  }
0x149: {  	[tilespmem:s9+$0x18800] =	vst v9;
	v3 =	vld [tilespmem:s9+$0xC850]  }
0x14a: {  	s26 =	sshrl.u32 s25, $0x3;
	s25 =	sadd.s32 $0x1, s25;
	[tilespmem:s9+$0x18810] =	vst v10;
	v5 =	vld [tilespmem:s9+$0xC860]  }
0x14b: {  	[tilespmem:s9+$0x18820] =	vst v7;
	v51 =	vld [tilespmem:s9+$0xC870];
	s25 =	smul.u32 $0xC00, s26;
	s23 =	sadd.s32 $0x80, s23  }
0x14c: {  	v52 =	vld [tilespmem:s9+$0xCC00];
	[tilespmem:s9+$0x18830] =	vst v6;
	s23 =	sand.u32 $0x380, s23  }
0x14d: {  	v53 =	vld [tilespmem:s9+$0xCC10];
	[tilespmem:s9+$0x18840] =	vst v4;
	s23 =	sor.u32 s23, s25  }
0x14e: {  	v8 =	vld.msk [tilespmem:s23+$0xCC20], $0xfff;
	[tilespmem:s9+$0x18850] =	vst v3  }
0x14f: {  	v3 =	vld [tilespmem:s23+$0xC400];
	[tilespmem:s9+$0x18860] =	vst v5  }
0x150: {  	v5 =	vld [tilespmem:s23+$0xC410];
	[tilespmem:s9+$0x18870] =	vst v51  }
0x151: {  	v7 =	vld [tilespmem:s23+$0xC420];
	[tilespmem:s9+$0x18C00] =	vst v52  }
0x152: {  	v6 =	vld [tilespmem:s23+$0xC430];
	[tilespmem:s9+$0x18C10] =	vst v53  }
0x153: {  	v4 =	vld [tilespmem:s23+$0xC440];
	[tilespmem:s23+$0x18C20] =	vst.msk $0xfff, v8  }
0x154: {  	v54 =	vld [tilespmem:s23+$0xC460];
	[tilespmem:s23+$0x18400] =	vst v3  }
0x155: {  	v55 =	vld [tilespmem:s23+$0xC470];
	[tilespmem:s23+$0x18410] =	vst v5  }
0x156: {  	v3 =	vld [tilespmem:s23+$0xC450];
	[tilespmem:s23+$0x18420] =	vst v7  }
0x157: {  	v56 =	vld [tilespmem:s23+$0xC800];
	[tilespmem:s23+$0x18430] =	vst v6  }
0x158: {  	v57 =	vld [tilespmem:s23+$0xC810];
	[tilespmem:s23+$0x18440] =	vst v4  }
0x159: {  	v58 =	vld [tilespmem:s23+$0xC830];
	[tilespmem:s23+$0x18460] =	vst v54  }
0x15a: {  	v59 =	vld [tilespmem:s23+$0xC840];
	[tilespmem:s23+$0x18470] =	vst v55  }
0x15b: {  	[tilespmem:s23+$0x18450] =	vst v3;
	v3 =	vld [tilespmem:s23+$0xC820]  }
0x15c: {  	v60 =	vld [tilespmem:s23+$0xC850];
	[tilespmem:s23+$0x18800] =	vst v56  }
0x15d: {  	v61 =	vld [tilespmem:s23+$0xC860];
	[tilespmem:s23+$0x18810] =	vst v57  }
0x15e: {  	v62 =	vld [tilespmem:s23+$0xCC00];
	[tilespmem:s23+$0x18830] =	vst v58  }
0x15f: {  	v63 =	vld [tilespmem:s23+$0xCC10];
	[tilespmem:s23+$0x18840] =	vst v59  }
0x160: {  	s6 =	sadd.s32 $0x1, s6;
	[tilespmem:s23+$0x18820] =	vst v3;
	v3 =	vld [tilespmem:s23+$0xC870]  }
0x161: {  	s8 =	sadd.s32 s3, s8;
	p0 =	sne.s32 s6, $0xC8;
	[tilespmem:s23+$0x18850] =	vst v60  }
.Ltmp2:
0x162: {  	s8 =	sshrl.u32 s8, $0x3;
	[tilespmem:s23+$0x18860] =	vst v61;
	(pc) =	sbr.rel @p0 .LBB2_2-.Ltmp2, $4  }
0x163: {  	s8 =	smul.u32 $0x180, s8;
	[tilespmem:s23+$0x18C00] =	vst v62  }
0x164: {  	[tilespmem:s23+$0x18C10] =	vst v63  }
0x165: {  	s8 =	sadd.s32 s5, s8;
	[tilespmem:s23+$0x18870] =	vst v3  }
0x166: {  	[hbm4b:s8+s2] =	stream.linear.scatter [tilespmem:s22], [sflag:$0x4], $0x6000, $0x38;
	[tilespmem:$0x1E400] =	vst v63  }
0x167: {  	s6 =	simm.s32 $0x3  }
0x168: {  	_ =	swait.ge [sflag:s6], $0x6000  }
0x169: {  	[sflag:s6] =	ssyncset.done $0x0  }
0x16a: {  	[sflag:s6] =	ssyncadd.s32 $0xFFFFA000  }
0x16b: {  	_ =	swait.ge [sflag:s24], $0x6000  }
0x16c: {  	s8 =	rddreg [dreg:$0x4]  }
0x16d: {  	s28 =	rddreg [dreg:$0x3];
	s8 =	sadd.s32 $0x1, s8  }
0x16e: {  	p0 =	sne.s32 s8, s28  }
.Ltmp3:
0x16f: {  	_ = 	snop;
	(pc) =	sbr.rel @p0 .LBB2_1-.Ltmp3, $3  }
0x170: {  	_ =	sdelay $0x1  }
0x171: {  	[sflag:s24] =	ssyncset.done $0x0  }
0x172: {  	[sflag:s24] =	ssyncadd.s32 $0xFFFFA000  }
0x173: {  	_ =	sfence.sel $0x180000  }
0x174: {  	[bflag:$0x0] =	sbarrier.arrive $0xFFFF  }
0x175: {  	_ =	strace $0x90000047  }
0x176: {  	s0 =	stileid.u32;
	[bflag:$0x2] =	sbarrier.arrive $0xFFFF  }
0x177: {  	p0 =	sne.s32 s0, $0x0;
	s0 =	rddreg [dreg:$0x1]  }
0x178: {  	s0 =	sadd.s32 @!p0 $0x100000, s0  }
0x179: {  	[sflag:s0] =	ssyncadd.tile.s32 @!p0 $0x1;
	_ =	shalt  }
.Lfunc_end2:
_tile_overlayer_lowered:
.L_overlay_start_2:
0x17a: {  	(tag) =	ssettag $0x2  }
0x17b: {  	s0 =	rddreg [dreg:$0x0];
	s2 =	stileid.u32  }
0x17c: {  	s1 =	rddreg [dreg:$0x1];
	p0 =	sne.s32 s2, $0x0  }
0x17d: {  	s3 =	rddreg [dreg:$0x2];
	[bflag:$0x3] =	sbarrier.arrive $0xFFFF;
	s2 =	simm.s32 @!p0 $0x1C05  }
0x17e: {  	[timem:s3], [sflag:s2] =	dma.local @!p0 [hbm:s0], s1  }
0x17f: {  	s0 =	simm.s32 @!p0 $0x5  }
0x180: {  	_ =	swait.ge @!p0 [sflag:s0], s1  }
0x181: {  	s1 =	ssub.s32 @!p0 $0x0, s1;
	[sflag:s0] =	ssyncset.done @!p0 $0x0  }
0x182: {  	[sflag:s0] =	ssyncadd.s32 @!p0 s1  }
0x183: {  	[bflag:$0x3] =	sbarrier.arrive $0xFFFF  }
0x184: {  	_ =	shalt  }

// kernel: sparse-core-data-format-call.cloned.1.call-start
scs
called_computation_lowered:
.L_overlay_start_0:
0x0: {  	s2 =	sld [smem:$0x3FD9]  }
0x1: {  	s3 =	sld [smem:$0x3FFE];
	_ =	sdelay $0x1  }
0x2: {  	s1 =	srdreg.scid  }
0x3: {  	s0 =	sand.u32 $0x1, s1  }
0x4: {  	s18 =	sshll.u32 s0, $0xA;
	s2 =	sadd.s32 s3, s2  }
0x5: {  	s2 =	sadd.s32 s2, s18  }
0x6: {  	[smem:$0x3FC6] =	sst s2  }
0x7: {  	_ = 	snop  }
0x8: {  	s2 =	sld [smem:$0x3FD0];
	(tm) =	ssettm $0x1  }
0x9: {  	s19 =	sld [smem:$0x3FFB];
	_ =	sdelay $0x3  }
0xa: {  	_ =	strace s19  }
0xb: {  	s3 =	sld [smem:$0x3FFC];
	_ =	sdelay $0x3  }
0xc: {  	_ =	strace s3  }
0xd: {  	s3 =	sld [smem:$0x3FFD];
	_ =	sdelay $0x3  }
0xe: {  	_ =	strace s3  }
0xf: {  	_ =	strace $0x8FFFFFFF  }
0x10: {  	s20 =	sld [smem:$0x3FDB];
	_ =	sdelay $0x1  }
0x11: {  	s4 =	simm.s32 $_scs_section_size  }
0x12: {  	s5 =	simm.s32 $_size__tile_overlayer_lowered;
	s6 =	simm.s32 $_tile_overlayer_lowered  }
0x13: {  	s23 =	simm.s32 $0x1BFF;
	s22 =	sshll.u32 s6, $0x1;
	s3 =	sadd.s32 s4, s20  }
0x14: {  	s7 =	simm.s32 $0x0;
	s21 =	sshll.u32 s5, $0x1;
	s5 =	sadd.s32 s22, s3  }
0x15: {  	[timem:s7], [sflag:s23] =	dma.local [hbm:s5], s21  }
0x16: {  	_ =	swait.ge [sflag:s23], s21  }
0x17: {  	s4 =	ssub.s32 $0x0, s21;
	[sflag:s23] =	ssyncset.done $0x0  }
0x18: {  	[sflag:s23] =	ssyncadd.s32 s4;
	_ =	sdelay $0x1  }
0x19: {  	s24 =	simm.s32 $0x1B8B  }
0x1a: {  	_ =	swait.ge [sflag:s24], $0x1  }
0x1b: {  	[sflag:s24] =	ssyncset.done $0x0  }
0x1c: {  	s26 =	simm.s32 $0x1B8E;
	s25 =	sld [smem:$0x3FFE];
	[sflag:s24] =	ssyncadd.s32 $0xFFFFFFFF  }
0x1d: {  	s27 =	simm.s32 $execute0_lowered;
	[smem:$0x3FD2] =	sst s26  }
0x1e: {  	s5 =	sshll.u32 s27, $0x1;
	_ =	strace $0x80000049;
	[dreg:$0x1] =	wrdreg $0xFFFFFFFF  }
0x1f: {  	s28 =	simm.s32 $_size_execute0_lowered;
	s3 =	sadd.s32 s3, s5;
	[dreg:$0x0] =	wrdreg $0x0  }
0x20: {  	s5 =	sshll.u32 s28, $0x1;
	[dreg:$0x2] =	wrdreg s3  }
0x21: {  	[dreg:$0x3] =	wrdreg s5  }
0x22: {  	[dreg:$0x4] =	wrdreg $0xC0  }
0x23: {  	_ =	task [dreg:s7], $0x5FFFF  }
0x24: {  	[dreg:$0x1] =	wrdreg $0xFFFFFFFF  }
0x25: {  	[dreg:$0x0] =	wrdreg $0x60  }
0x26: {  	[dreg:$0x2] =	wrdreg s25  }
0x27: {  	[dreg:$0x3] =	wrdreg s2  }
0x28: {  	[dreg:$0x4] =	wrdreg $0x9  }
0x29: {  	_ =	task.clear_ibuf [dreg:s7], $0x5FFFF;
	_ =	strace $0x90000049  }
0x2a: {  	s29 =	simm.s32 $0x9;
	_ =	strace $0x8000004B  }
0x2b: {  	_ =	swait.ge [sflag:s29], $0x1  }
0x2c: {  	[sflag:s29] =	ssyncadd.s32 $0xFFFFFFFF  }
0x2d: {  	_ =	strace $0x9000004B  }
0x2e: {  	_ =	sfence  }
0x2f: {  	s30 =	sld [smem:$0x0];
	_ =	sdelay $0x2  }
0x30: {  	s31 =	sshll.u32 s1, $0xD;
	s1 =	sshrl.u32 s1, $0x2  }
0x31: {  	s3 =	sand.u32 $0x4000, s31;
	s1 =	sadd.s32 s1, s30  }
0x32: {  	s0 =	sor.u32 s3, s0;
	s1 =	sshll.u32 s1, $0x11  }
0x33: {  	s0 =	sor.u32 s1, s0  }
0x34: {  	s0 =	sadd.s32 $0x8F2B, s0  }
0x35: {  	[sflag:s0] =	ssyncadd.remote.s32 $0x1  }
0x36: {  	_ =	sfence.sel $0xFFFF  }
0x37: {  	[dreg:$0x0] =	wrdreg $0xFFFFFFFF;
	(pc) =	sbr.abs _section_cstart, $3  }
0x38: {  	[dreg:$0x1] =	wrdreg $0xFFFFFFFF  }
0x39: {  	_ =	task.clear_ibuf [dreg:s7], $0x2FFFF;
	_ =	strace $0x9FFFFFFF  }
0x3a: {  	(tm) =	ssettm $0x7FFFFFFF  }
0x3b: {  	_ =	shalt  }
tec
execute0_lowered:
.L_overlay_start_1:
0x0: {  	(tag) =	ssettag $0x1  }
0x1: {  	s0 =	srdreg.scid;
	s6 =	rddreg [dreg:$0x0]  }
0x2: {  	s3 =	rddreg [dreg:$0x1];
	s1 =	sshll.u32 s0, $0x4  }
0x3: {  	s5 =	simm.s32 $0x1;
	s0 =	stileid.u32;
	s1 =	sand.u32 $0x10, s1  }
0x4: {  	s31 =	simm.s32 $0x2;
	s18 =	simm.s32 $0x0;
	s1 =	sor.u32 s0, s1  }
0x5: {  	s8 =	simm.s32 $0xC8000;
	s17 =	simm.s32 $0x0;
	s2 =	sshll.u32 s1, $0x7  }
0x6: {  	s16 =	simm.s32 $0x0;
	s9 =	simm.s32 $0x0;
	s4 =	ssub.s32 $0x1000, s2  }
0x7: {  	s10 =	simm.s32 $0x0;
	s11 =	simm.s32 $0x0;
	s30 =	sand.u32 $0xF80, s4  }
0x8: {  	s12 =	simm.s32 $0x0;
	s13 =	simm.s32 $0x0;
	p0 =	sne.s32 s30, $0x0  }
.Ltmp0:
0x9: {  	s7 =	sshrl.u32 s4, $0xC;
	s5 =	simm.s32 @!p0 $0x0;
	(pc) =	sbr.rel .LBB1_1-.Ltmp0, $4  }
0xa: {  	s15 =	simm.s32 $0x0;
	s1 =	rddreg [dreg:$0x2];
	s5 =	sadd.s32 s5, s7  }
0xb: {  	_ =	strace $0x8000004A;
	s4 =	simm.s32 $0x1;
	s5 =	smul.u32 $0x258, s5  }
0xc: {  	s6 =	sadd.s32 $0x4AD600, s6;
	s14 =	smov.u32 s2;
	[sflag:s4] =	ssyncpa.u1 $0x0  }
0xd: {  	[sflag:s31] =	ssyncpa.u1 $0x0;
	p0 =	por $0x0, $0x0;
	s7 =	sor.u32 $0x1, s5  }
.LBB1_4:
0xe: {  	s23 =	sshra.s32 s23, $0x2;
	s24 =	sshll.u32 s10, $0xC  }
0xf: {  	p1 =	sgt.s32 s10, $0xC7;
	s26 =	smov.u32 s10;
	s27 =	sshra.s32 s10, $0x1F  }
0x10: {  	s28 =	smov.u32 s9;
	s29 =	sshra.s32 s11, $0x1F;
	s22 =	sadd.s32 s23, s22  }
0x11: {  	s30 =	sand.u32 $0xFFFF8000, s24;
	s24 =	sshll.u32 s11, $0x3;
	s26 =	simm.s32 @!p1 $0xC7  }
0x12: {  	p1 =	sgt.s32 s9, $0xAC;
	s27 =	sand.u32 s27, s10;
	s31 =	sand.u32 s29, s11  }
0x13: {  	s29 =	sshll.u32 s10, $0x7;
	s25 =	sand.u32 $0xFFFFFC00, s24;
	s28 =	simm.s32 @!p1 $0xAC  }
0x14: {  	p1 =	sgt.s32 s11, $0xF80;
	s23 =	sadd.s32 s25, s30;
	s25 =	ssub.s32 s26, s27  }
0x15: {  	[tilespmem:s21+$0x2040 ss:$0x81] =	vst.msk $0xffff, v4;
	s27 =	smov.u32 s11;
	s30 =	sshra.s32 s9, $0x1F;
	s26 =	sadd.s32 $0xFFFFFF39, s25  }
0x16: {  	v5 =	vld [tilespmem:s20+$0xFFFFFFD0];
	[tilespmem:s21+$0x2850 ss:$0x81] =	vst.msk $0xffff, v3;
	s27 =	simm.s32 @!p1 $0xF80;
	s23 =	sshrl.u32 s23, $0xC;
	s25 =	ssub.s32 $0xC8, s25  }
0x17: {  	v58 =	vld [tilespmem:s20+$0xFFFFFFE0];
	[tilespmem:s21+$0x3060 ss:$0x81] =	vst.msk $0xffff, v2;
	p1 =	sgt.s32 s26, $0x0;
	s26 =	ssub.s32 s27, s31;
	s27 =	sand.u32 s30, s9  }
0x18: {  	v59 =	vld [tilespmem:s20+$0xFFFFFFF0];
	[tilespmem:s21+$0x0 ss:$0x81] =	vst.msk $0xffff, v1;
	s21 =	smulhi.u32 $0x147AE15, s23;
	s30 =	sand.u32 $0x78, s11;
	s27 =	ssub.s32 s28, s27  }
0x19: {  	v60 =	vld [tilespmem:s20+$0x0];
	s25 =	simm.s32 @p1 $0x0;
	s31 =	sadd.s32 $0xFFFFF080, s26;
	s26 =	ssub.s32 $0x1000, s26  }
0x1a: {  	v61 =	vld [tilespmem:s20+$0x10];
	[tilespmem:s22+$0x3870 ss:$0x81] =	vst.msk $0xffff, v0;
	p1 =	sgt.s32 s31, $0x7F;
	s28 =	sadd.s32 $0xFFFFFF54, s27;
	s31 =	sand.u32 $0x380, s29  }
0x1b: {  	v62 =	vld [tilespmem:s20+$0x20];
	[tilespmem:s22+$0x810 ss:$0x81] =	vst.msk $0xffff, v5;
	s29 =	sand.u32 $0xC00, s24;
	s21 =	smul.u32 $0xC8, s21;
	s24 =	ssub.s32 $0x12C, s27  }
0x1c: {  	v63 =	vld [tilespmem:s20+$0xFFFFFFC0];
	[tilespmem:s22+$0x1020 ss:$0x81] =	vst.msk $0xffff, v58;
	s26 =	simm.s32 @p1 $0x0;
	s20 =	sor.u32 s30, s29;
	s30 =	smul.u32 $0x19000, s9  }
0x1d: {  	[tilespmem:s22+$0x1830 ss:$0x81] =	vst.msk $0xffff, v59;
	p1 =	sgt.s32 s28, $0x7F;
	s28 =	sand.u32 $0x7, s11;
	s25 =	smul.u32 s26, s25  }
0x1e: {  	[tilespmem:s22+$0x2040 ss:$0x81] =	vst.msk $0xffff, v60;
	s24 =	simm.s32 @p1 $0x0;
	s20 =	sor.u32 s31, s20;
	s21 =	ssub.s32 s23, s21  }
0x1f: {  	[tilespmem:s22+$0x2850 ss:$0x81] =	vst.msk $0xffff, v61;
	s20 =	sshrl.u32 s20, $0x3;
	s27 =	sadd.s32 s3, s30;
	s31 =	smul.u32 s24, s25  }
0x20: {  	[tilespmem:s22+$0x3060 ss:$0x81] =	vst.msk $0xffff, v62;
	s29 =	sshll.u32 s28, $0x12;
	s21 =	sshll.u32 s21, $0x9;
	s20 =	sadd.s32 s20, s27  }
0x21: {  	[tilespmem:s22+$0x0 ss:$0x81] =	vst.msk $0xffff, v63;
	s20 =	sadd.s32 s21, s20;
	s30 =	sand.u32 $0x3FFFFFFF, s31;
	s31 =	sor.u32 $0x80, s29  }
0x22: {  	[hbm4b:s20+s31] =	stream.strided.scatter [tilespmem:s19], [sflag:$0x2], s30, s8, s31, $0x20;
	[tilespmem:$0x10100] =	vst v63  }
.LBB1_5:
0x23: {  	p1 =	slt.u32 s15, $0x2  }
0x24: {  	p2 =	sgt.s32 @!p1 s18, $0xAC  }
0x25: {  	s19 =	smov.u32 s18;
	s20 =	sshra.s32 @!p1 s18, $0x1F;
	p2 =	por !p2, p1  }
0x26: {  	s18 =	sand.u32 @!p1 s20, s18;
	s19 =	simm.s32 @p2 $0xAC  }
0x27: {  	s20 =	sshra.s32 @!p1 s17, $0x1F;
	p2 =	sgt.s32 @!p1 s17, $0xC7;
	s18 =	ssub.s32 @!p1 s19, s18  }
0x28: {  	p2 =	por !p2, p1;
	s19 =	smov.u32 s17;
	s17 =	sand.u32 @!p1 s20, s17  }
0x29: {  	s20 =	sshra.s32 @!p1 s16, $0x1F;
	s19 =	simm.s32 @p2 $0xC7;
	p2 =	sgt.s32 @!p1 s16, $0xF80  }
0x2a: {  	s17 =	ssub.s32 @!p1 s19, s17;
	p2 =	por !p2, p1;
	s19 =	smov.u32 s16  }
0x2b: {  	s16 =	sand.u32 @!p1 s20, s16;
	s20 =	sadd.s32 @!p1 $0xFFFFFF39, s17;
	s19 =	simm.s32 @p2 $0xF80  }
0x2c: {  	p2 =	sgt.s32 @!p1 s20, $0x0;
	s16 =	ssub.s32 @!p1 s19, s16  }
0x2d: {  	s17 =	ssub.s32 @!p1 $0xC8, s17;
	p2 =	por !p2, p1;
	s19 =	sadd.s32 @!p1 $0xFFFFF080, s16  }
0x2e: {  	s17 =	simm.s32 @!p2 $0x0;
	p2 =	sgt.s32 @!p1 s19, $0x7F  }
0x2f: {  	s21 =	smov.u32 s14;
	s16 =	ssub.s32 @!p1 $0x1000, s16;
	p2 =	por !p2, p1  }
0x30: {  	s20 =	sadd.s32 @!p1 $0xFFFFFF54, s18;
	s19 =	sadd.s32 $0x80, s12;
	s16 =	simm.s32 @!p2 $0x0  }
0x31: {  	p2 =	sgt.s32 s19, $0x12B;
	s16 =	smul.u32 @!p1 s16, s17;
	s17 =	simm.s32 $0x1  }
0x32: {  	p0 =	por !p0, !p0;
	p3 =	sgt.s32 @!p1 s20, $0x7F;
	s17 =	simm.s32 @!p2 $0x0  }
0x33: {  	s18 =	ssub.s32 @!p1 $0x12C, s18;
	p3 =	por !p3, p1;
	s20 =	sadd.s32 s17, s13  }
0x34: {  	s18 =	simm.s32 @!p3 $0x0;
	s17 =	sadd.s32 $0x1000, s14;
	p3 =	sgt.s32 s20, $0xC7  }
0x35: {  	s22 =	simm.s32 @!p1 $0x2;
	s19 =	simm.s32 @p2 $0x0;
	s21 =	smov.u32 @p3 s17  }
0x36: {  	s16 =	smul.u32 @!p1 s18, s16;
	s18 =	smov.u32 s9;
	p2 =	sgt.s32 s21, $0xFFF  }
0x37: {  	s9 =	smov.u32 s12;
	s21 =	smov.u32 @p2 s2;
	p2 =	sne.s32 s15, s7  }
.Ltmp1:
0x38: {  	s12 =	smov.u32 s19;
	s16 =	sand.u32 @!p1 $0x3FFFFFFF, s16;
	(pc) =	sbr.rel @!p2 .LBB1_6-.Ltmp1, $4  }
0x39: {  	s20 =	simm.s32 @p3 $0x0;
	s17 =	smov.u32 s10;
	s10 =	smov.u32 s13  }
0x3a: {  	_ =	swait.ge @!p1 [sflag:s22], s16;
	s23 =	ssub.s32 @!p1 $0x0, s16;
	s16 =	smov.u32 s11  }
0x3b: {  	s11 =	smov.u32 s14;
	s13 =	smov.u32 s20;
	[sflag:s22] =	ssyncset.done @!p1 $0x0  }
0x3c: {  	s15 =	sadd.s32 $0x1, s15;
	[sflag:s22] =	ssyncadd.s32 @!p1 s23;
	s14 =	smov.u32 s21  }
.LBB1_1:
0x3d: {  	p1 =	sge.u32 s15, s5  }
0x3e: {  	s19 =	sshrl.u32 @!p1 s13, $0x3  }
0x3f: {  	s20 =	sshll.u32 @!p1 s12, $0x3;
	s19 =	smul.u32 @!p1 $0xC00, s19  }
0x40: {  	s21 =	sshll.u32 @!p1 s13, $0x7;
	s20 =	sand.u32 @!p1 $0xFFFFFC00, s20  }
0x41: {  	s19 =	sadd.s32 @!p1 s19, s20;
	s20 =	sand.u32 @!p1 $0x380, s21  }
0x42: {  	s19 =	sor.u32 @!p1 s20, s19  }
0x43: {  	s20 =	sand.u32 @!p1 $0x7F, s12;
	s21 =	smulhi.u32 @!p1 $0xAAAAAAAB, s19  }
0x44: {  	s19 =	sor.u32 @!p1 s20, s19  }
0x45: {  	s20 =	smulhi.u32 @!p1 $0xAAAAAAAB, s19;
	s21 =	sshrl.u32 @!p1 s21, $0x8  }
0x46: {  	s22 =	smulhi.u32 @!p1 $0x147AE15, s21;
	_ =	sdelay $0x1  }
0x47: {  	s20 =	sshrl.u32 @!p1 s20, $0x8;
	s22 =	smul.u32 @!p1 $0xC8, s22  }
0x48: {  	s31 =	sadd.s32 $0xFFFFFFFF, s15;
	s20 =	smul.u32 @!p1 $0x180, s20  }
0x49: {  	s23 =	sxor.u32 @!p1 $0xFFFFFFFF, s15;
	s21 =	ssub.s32 @!p1 s21, s22;
	s22 =	smul.u32 @!p1 $0x2580, s14  }
0x4a: {  	s23 =	sshll.u32 @!p1 s23, $0xE;
	s19 =	ssub.s32 @!p1 s19, s20;
	s20 =	smul.u32 @!p1 $0x30, s21  }
0x4b: {  	s21 =	sand.u32 @!p1 $0x4000, s23;
	s23 =	sand.u32 @!p1 $0x7, s19;
	s22 =	sadd.s32 @!p1 s6, s22  }
0x4c: {  	s19 =	sshrl.u32 @!p1 s19, $0x3;
	s20 =	sadd.s32 @!p1 s20, s22;
	s22 =	sshll.u32 @!p1 s23, $0x12  }
0x4d: {  	s19 =	sadd.s32 @!p1 s19, s20;
	s20 =	sor.u32 @!p1 $0x80, s22;
	s22 =	simm.s32 @!p1 $0x12C00  }
0x4e: {  	[tilespmem:s21], [sflag:$0x1] =	stream.strided.gather @!p1 [hbm4b:s19+s20], $0x4000, s22, s20, $0x38;
	[tilespmem:$0x10100] =	vst v63  }
0x4f: {  	p1 =	sge.u32 s31, s5  }
.Ltmp2:
0x50: {  	_ = 	snop;
	(pc) =	sbr.rel @p1 .LBB1_5-.Ltmp2, $1  }
0x51: {  	_ =	sdelay $0x3  }
0x52: {  	s19 =	simm.s32 $0x1  }
0x53: {  	_ =	swait.ge [sflag:s4], $0x4000;
	s19 =	simm.s32 @!p0 $0x0  }
0x54: {  	[sflag:s4] =	ssyncset.done $0x0;
	s20 =	sshll.u32 s19, $0xE  }
0x55: {  	[sflag:s4] =	ssyncadd.s32 $0xFFFFC000;
	s20 =	sor.u32 $0x40, s20  }
0x56: {  	s19 =	smul.u32 $0x10200, s19;
	v0 =	vld [tilespmem:s20+$0x30]  }
0x57: {  	v1 =	vld [tilespmem:s20+$0xFFFFFFD0]  }
0x58: {  	s19 =	sshrl.u32 s19, $0x2;
	v5 =	vld [tilespmem:s20+$0xFFFFFFE0]  }
0x59: {  	v6 =	vld [tilespmem:s20+$0xFFFFFFF0];
	s22 =	sor.u32 $0x8000, s19  }
0x5a: {  	s31 =	sand.u32 $0x1, s15;
	v4 =	vld [tilespmem:s20+$0x0];
	s21 =	sadd.s32 $0x0, s22  }
0x5b: {  	v3 =	vld [tilespmem:s20+$0x10];
	s19 =	smul.u32 $0x10200, s31;
	[tilespmem:s21+$0x3870 ss:$0x81] =	vst.msk $0xffff, v0  }
0x5c: {  	v2 =	vld [tilespmem:s20+$0x20];
	[tilespmem:s21+$0x810 ss:$0x81] =	vst.msk $0xffff, v1  }
0x5d: {  	s19 =	sshrl.u32 s19, $0x2;
	v1 =	vld [tilespmem:s20+$0xFFFFFFC0];
	[tilespmem:s21+$0x1020 ss:$0x81] =	vst.msk $0xffff, v5;
	s20 =	sadd.s32 $0x80, s20  }
0x5e: {  	s23 =	simm.s32 $0x4;
	s24 =	simm.s32 $0x8;
	s19 =	sor.u32 $0x8000, s19;
	[tilespmem:s21+$0x1830 ss:$0x81] =	vst.msk $0xffff, v6;
	v0 =	vld [tilespmem:s20+$0x30]  }
.LBB1_3:
0x5f: {  	p1 =	sne.s32 s24, $0x1FC;
	v5 =	vld [tilespmem:s20+$0xFFFFFFD0];
	[tilespmem:s21+$0x2040 ss:$0x81] =	vst.msk $0xffff, v4  }
0x60: {  	v6 =	vld [tilespmem:s20+$0xFFFFFFE0];
	[tilespmem:s21+$0x2850 ss:$0x81] =	vst.msk $0xffff, v3  }
0x61: {  	s25 =	sshra.s32 s23, $0x2;
	s23 =	smov.u32 s24;
	v7 =	vld [tilespmem:s20+$0xFFFFFFF0];
	[tilespmem:s21+$0x3060 ss:$0x81] =	vst.msk $0xffff, v2  }
.Ltmp3:
0x62: {  	v4 =	vld [tilespmem:s20+$0x0];
	[tilespmem:s21+$0x0 ss:$0x81] =	vst.msk $0xffff, v1;
	s21 =	sadd.s32 s25, s22;
	(pc) =	sbr.rel @p1 .LBB1_3-.Ltmp3, $4  }
0x63: {  	v3 =	vld [tilespmem:s20+$0x10];
	[tilespmem:s21+$0x3870 ss:$0x81] =	vst.msk $0xffff, v0  }
0x64: {  	[tilespmem:s21+$0x810 ss:$0x81] =	vst.msk $0xffff, v5;
	v2 =	vld [tilespmem:s20+$0x20]  }
0x65: {  	v1 =	vld [tilespmem:s20+$0xFFFFFFC0];
	[tilespmem:s21+$0x1020 ss:$0x81] =	vst.msk $0xffff, v6;
	s20 =	sadd.s32 $0x80, s20  }
0x66: {  	s24 =	sadd.s32 $0x4, s24;
	v0 =	vld [tilespmem:s20+$0x30];
	[tilespmem:s21+$0x1830 ss:$0x81] =	vst.msk $0xffff, v7  }
.Ltmp4:
0x67: {  	_ = 	snop;
	(pc) =	sbr.rel .LBB1_4-.Ltmp4, $1  }
0x68: {  	_ =	sdelay $0x3  }
.LBB1_6:
0x69: {  	_ =	sfence.sel $0x180000  }
0x6a: {  	s2 =	simm.s32 $0x1;
	[bflag:$0x0] =	sbarrier.arrive $0xFFFF  }
0x6b: {  	s31 =	simm.s32 $0x2;
	[sflag:s2] =	ssyncpa.u1 $0x1  }
0x6c: {  	[sflag:s31] =	ssyncpa.u1 $0x1  }
0x6d: {  	p0 =	sne.s32 s0, $0x0;
	_ =	strace $0x9000004A  }
0x6e: {  	s0 =	sadd.s32 @!p0 $0x100000, s1;
	[bflag:$0x2] =	sbarrier.arrive $0xFFFF  }
0x6f: {  	[sflag:s0] =	ssyncadd.tile.s32 @!p0 $0x1;
	_ =	shalt  }
.Lfunc_end1:
_tile_overlayer_lowered:
.L_overlay_start_2:
0x70: {  	(tag) =	ssettag $0x2  }
0x71: {  	s0 =	rddreg [dreg:$0x0];
	s2 =	stileid.u32  }
0x72: {  	s1 =	rddreg [dreg:$0x1];
	p0 =	sne.s32 s2, $0x0  }
0x73: {  	s3 =	rddreg [dreg:$0x2];
	[bflag:$0x3] =	sbarrier.arrive $0xFFFF;
	s2 =	simm.s32 @!p0 $0x1C01  }
0x74: {  	[timem:s3], [sflag:s2] =	dma.local @!p0 [hbm:s0], s1  }
0x75: {  	s0 =	simm.s32 @!p0 $0x1  }
0x76: {  	_ =	swait.ge @!p0 [sflag:s0], s1  }
0x77: {  	s1 =	ssub.s32 @!p0 $0x0, s1;
	[sflag:s0] =	ssyncset.done @!p0 $0x0  }
0x78: {  	[sflag:s0] =	ssyncadd.s32 @!p0 s1  }
0x79: {  	[bflag:$0x3] =	sbarrier.arrive $0xFFFF  }
0x7a: {  	_ =	shalt  }

</sc_bundles>
